<compile_context>
chip_gen: v7x
topology: tpu7x:2x2x1
jax: 0.10.2.dev20260603
libtpu: 0.0.44.dev20260713+nightly
codegen_flags: <defaults>
</compile_context>

<pallas_src>
import jax
import jax.numpy as jnp
from jax import lax
from jax.experimental import pallas as pl
from jax.experimental.pallas import tpu as pltpu
from jax.experimental.pallas import tpu_sc as plsc

N = 10000
NNZ = 160000
F = 256
HALF = 128
R = 10240
BLK = 64
NB = 2560
NNZ_PAD = NB * BLK - NNZ
SUBCORES = 16
BPT = NB // SUBCORES
IC = 32
NCH = BPT // IC
DEPTH = 2
RPT = R // SUBCORES
ZB = 16
ZC = 64
CW = 16
SC_ROWS = 128

_f32 = jnp.float32
_bf16 = jnp.bfloat16
_i32 = jnp.int32


def _prep_body(x_ref, wlin_ref, temb_ref, wtemb_ref, btemb_ref,
               xl0_ref, xl1_ref, tproj_ref):
    xl = jnp.dot(x_ref[...], wlin_ref[...].T, preferred_element_type=_f32)
    xl0_ref[...] = jnp.zeros((R, HALF), _bf16)
    xl1_ref[...] = jnp.zeros((R, HALF), _bf16)
    xl0_ref[0:N, :] = xl[:, 0:HALF].astype(_bf16)
    xl1_ref[0:N, :] = xl[:, HALF:F].astype(_bf16)
    t = temb_ref[...]
    st = t * (1.0 / (1.0 + jnp.exp(-t)))
    tproj_ref[...] = (
        jnp.dot(st, wtemb_ref[...].T, preferred_element_type=_f32)
        + btemb_ref[...])


_prep = pl.pallas_call(
    _prep_body,
    out_shape=(
        jax.ShapeDtypeStruct((R, HALF), _bf16),
        jax.ShapeDtypeStruct((R, HALF), _bf16),
        jax.ShapeDtypeStruct((1, F), _f32),
    ),
)


def _sc_body(src0, src1, nidx, eidx, ones_h, zr_h, zc_h,
             out0, out1, cd_out,
             gloc, sloc, r0, r1, onesb, zbuf, zcnt, astg, cstg,
             acc1, acc2, cntB, cntD, s0, s1):
    rows = (r0, r1)
    sems = (s0, s1)
    c = lax.axis_index("c")
    s = lax.axis_index("s")
    rowlo = s * RPT

    pltpu.sync_copy(zr_h, zbuf)
    pltpu.sync_copy(zc_h, zcnt)
    pltpu.sync_copy(ones_h, onesb)

    def _za(k, carry):
        pltpu.sync_copy(zbuf, acc1.at[pl.ds(rowlo + k * ZB, ZB)])
        pltpu.sync_copy(zbuf, acc2.at[pl.ds(rowlo + k * ZB, ZB)])
        return carry
    lax.fori_loop(0, RPT // ZB, _za, 0)

    def _zc(k, carry):
        pltpu.sync_copy(zcnt, cntB.at[pl.ds(rowlo + k * ZC, ZC)])
        pltpu.sync_copy(zcnt, cntD.at[pl.ds(rowlo + k * ZC, ZC)])
        return carry
    lax.fori_loop(0, RPT // ZC, _zc, 0)
    plsc.subcore_barrier()

    def _loop(src, gidx, sidx, acc, cnt):
        def _chunk(ch, carry):
            base = s * BPT + ch * IC
            pltpu.sync_copy(gidx.at[pl.ds(base, IC)], gloc)
            pltpu.sync_copy(sidx.at[pl.ds(base, IC)], sloc)
            for j in range(DEPTH):
                pltpu.async_copy(src.at[gloc.at[j]], rows[j], sems[j])

            def _grp(g, c2):
                for j in range(DEPTH):
                    b = DEPTH * g + j
                    pltpu.make_async_copy(
                        src.at[gloc.at[b]], rows[j], sems[j]).wait()
                    pltpu.sync_copy(rows[j], acc.at[sloc.at[b]], add=True)
                    pltpu.sync_copy(onesb, cnt.at[sloc.at[b]], add=True)

                    @pl.when(b + DEPTH < IC)
                    def _():
                        pltpu.async_copy(
                            src.at[gloc.at[b + DEPTH]], rows[j], sems[j])
                return c2
            lax.fori_loop(0, IC // DEPTH, _grp, 0)
            return carry
        lax.fori_loop(0, NCH, _chunk, 0)

    @pl.when(c == 0)
    def _():
        _loop(src0, nidx, eidx, acc1, cntB)

    @pl.when(c == 1)
    def _():
        _loop(src1, nidx, eidx, acc1, cntB)

    plsc.subcore_barrier()

    def _sch(q, carry):
        base = rowlo + q * SC_ROWS
        pltpu.sync_copy(acc1.at[pl.ds(base, SC_ROWS)], astg)
        pltpu.sync_copy(cntB.at[pl.ds(base, SC_ROWS)], cstg)

        def _srow(r, c2):
            cv = cstg[r, pl.ds(0, 16)]
            invv = jnp.where(cv == 0.0, 0.0, 1.0 / cv)
            sv = jnp.full((16,), lax.reduce_max(invv, (0,)), _f32)
            sb = plsc.pack(sv, sv, format=plsc.PackFormat.INTERLEAVED)
            for k in range(HALF // 32):
                sl = pl.ds(k * 32, 32)
                astg[r, sl] = astg[r, sl] * sb
            return c2
        lax.fori_loop(0, SC_ROWS, _srow, 0)
        pltpu.sync_copy(astg, acc1.at[pl.ds(base, SC_ROWS)])
        return carry
    lax.fori_loop(0, RPT // SC_ROWS, _sch, 0)
    plsc.subcore_barrier()

    _loop(acc1, eidx, nidx, acc2, cntD)
    plsc.subcore_barrier()

    sl = pl.ds(rowlo, RPT)

    @pl.when(c == 0)
    def _():
        pltpu.sync_copy(acc2.at[sl], out0.at[sl])
        pltpu.sync_copy(cntD.at[sl], cd_out.at[sl])

    @pl.when(c == 1)
    def _():
        pltpu.sync_copy(acc2.at[sl], out1.at[sl])


_sc_fused = pl.kernel(
    _sc_body,
    out_type=(
        jax.ShapeDtypeStruct((R, HALF), _bf16),
        jax.ShapeDtypeStruct((R, HALF), _bf16),
        jax.ShapeDtypeStruct((R, CW), _f32),
    ),
    mesh=plsc.VectorSubcoreMesh(core_axis_name="c", subcore_axis_name="s"),
    scratch_types=[
        pltpu.VMEM((IC, BLK), _i32),
        pltpu.VMEM((IC, BLK), _i32),
        pltpu.VMEM((BLK, HALF), _bf16),
        pltpu.VMEM((BLK, HALF), _bf16),
        pltpu.VMEM((BLK, CW), _f32),
        pltpu.VMEM((ZB, HALF), _bf16),
        pltpu.VMEM((ZC, CW), _f32),
        pltpu.VMEM((SC_ROWS, HALF), _bf16),
        pltpu.VMEM((SC_ROWS, CW), _f32),
        pltpu.VMEM_SHARED((R, HALF), _bf16),
        pltpu.VMEM_SHARED((R, HALF), _bf16),
        pltpu.VMEM_SHARED((R, CW), _f32),
        pltpu.VMEM_SHARED((R, CW), _f32),
        pltpu.SemaphoreType.DMA,
        pltpu.SemaphoreType.DMA,
    ],
    compiler_params=pltpu.CompilerParams(
        use_tc_tiling_on_sc=False, needs_layout_passes=False),
)


def _final_body(b0_ref, b1_ref, cnt_ref, tproj_ref, out_ref):
    cnt = cnt_ref[0:N, 0:1]
    inv = jnp.where(cnt == 0, 0.0, 1.0 / cnt)
    node_out = jnp.concatenate(
        [b0_ref[0:N, :].astype(_f32) * inv,
         b1_ref[0:N, :].astype(_f32) * inv], axis=1)
    h = node_out + tproj_ref[...]
    out_ref[...] = h * (1.0 / (1.0 + jnp.exp(-h)))


_final = pl.pallas_call(
    _final_body,
    out_shape=jax.ShapeDtypeStruct((N, F), _f32),
)


def kernel(x, hyperedge_index, temb, W_lin, W_temb, b_temb):
    pad = jnp.full((NNZ_PAD,), N, _i32)
    nidx = jnp.concatenate([hyperedge_index[0], pad]).reshape(NB, BLK)
    eidx = jnp.concatenate([hyperedge_index[1], pad]).reshape(NB, BLK)
    ones_h = jnp.ones((BLK, CW), _f32)
    zr = jnp.zeros((ZB, HALF), _bf16)
    zc = jnp.zeros((ZC, CW), _f32)

    xl0, xl1, tproj = _prep(x, W_lin, temb, W_temb, b_temb.reshape(1, F))
    b0, b1, cntD = _sc_fused(xl0, xl1, nidx, eidx, ones_h, zr, zc)
    return _final(b0, b1, cntD, tproj)

# --- scband reference (transcript-rebuilt; emitter-appended) ---
"""Pipeline reference for scband-attn-block-29394756173833 (READ-ONLY COPY).

The authoritative reference and input builder live on the scoring server;
editing this copy changes nothing except your own understanding.
"""

import jax, jax.numpy as jnp
import numpy as np

N = 10000      # num nodes
NNZ = 160000   # num incidences (nonzeros in incidence matrix)
IN = 256
OUT = 256
TEMB = 512


def setup_inputs(seed: int = 0) -> dict:
    key = jax.random.key(seed)
    ks = jax.random.split(key, 6)
    x = jax.random.normal(ks[0], (N, IN), dtype=jnp.float32)
    hyperedge_index = jax.random.randint(ks[1], (2, NNZ), 0, N, dtype=jnp.int32)
    temb = jax.random.normal(ks[2], (1, TEMB), dtype=jnp.float32)
    # HypergraphConv with use_attention=False: heads arg is ignored (heads=1),
    # lin = Linear(in_channels, out_channels, bias=False); conv bias=False.
    W_lin = jax.random.normal(ks[3], (OUT, IN), dtype=jnp.float32) * (1.0 / np.sqrt(IN))
    W_temb = jax.random.normal(ks[4], (OUT, TEMB), dtype=jnp.float32) * (1.0 / np.sqrt(TEMB))
    b_temb = jax.random.normal(ks[5], (OUT,), dtype=jnp.float32) * 0.01
    return {"x": x, "hyperedge_index": hyperedge_index, "temb": temb,
            "W_lin": W_lin, "W_temb": W_temb, "b_temb": b_temb}


def reference(x, hyperedge_index, temb, W_lin, W_temb, b_temb):
    node_idx = hyperedge_index[0]
    edge_idx = hyperedge_index[1]
    num_nodes = x.shape[0]
    num_edges = x.shape[0]

    # --- HypergraphConv (PyG, use_attention=False, eval mode) ---
    xl = x @ W_lin.T  # [N, OUT]
    hyperedge_weight = jnp.ones((num_edges,), dtype=x.dtype)
    # D[v] = sum of hyperedge_weight over incidences touching node v
    D = jax.ops.segment_sum(hyperedge_weight[edge_idx], node_idx, num_segments=num_nodes)
    D = jnp.where(D == 0, 0.0, 1.0 / D)
    # B[e] = number of nodes in hyperedge e
    B = jax.ops.segment_sum(jnp.ones((NNZ,), dtype=x.dtype), edge_idx, num_segments=num_edges)
    B = jnp.where(B == 0, 0.0, 1.0 / B)
    # propagate 1: node -> hyperedge, norm applied at target (edge)
    edge_feat = jax.ops.segment_sum(B[edge_idx][:, None] * xl[node_idx], edge_idx, num_segments=num_edges)
    # propagate 2: hyperedge -> node, norm applied at target (node)
    node_out = jax.ops.segment_sum(D[node_idx][:, None] * edge_feat[edge_idx], node_idx, num_segments=num_nodes)

    # --- time embedding projection + residual add ---
    temb_proj = jax.nn.silu(temb) @ W_temb.T + b_temb  # [1, OUT]
    hidden = node_out + temb_proj
    hidden = jax.nn.silu(hidden)
    # Dropout(p=0.0) in eval: identity
    return hidden


if False:  # reference __main__ guard neutralized (emitter)
    out = reference(**setup_inputs())
    print(out.shape, out.dtype)

if __name__ == "__main__":
    import jax
    _d = setup_inputs()
    print(jax.jit(kernel)(*tuple(_d.values())))

</pallas_src>

<mosaic_0001>
#map = affine_map<(d0, d1) -> (0, 0)>
module attributes {stable_mosaic.version = 14 : i64} {
  func.func @_sc_body(%arg0: i32, %arg1: i32, %arg2: memref<10240x128xbf16, #tpu.memory_space<hbm>>, %arg3: memref<10240x128xbf16, #tpu.memory_space<hbm>>, %arg4: memref<2560x64xi32, #tpu.memory_space<hbm>>, %arg5: memref<2560x64xi32, #tpu.memory_space<hbm>>, %arg6: memref<64x16xf32, #tpu.memory_space<hbm>>, %arg7: memref<16x128xbf16, #tpu.memory_space<hbm>>, %arg8: memref<64x16xf32, #tpu.memory_space<hbm>>, %arg9: memref<10240x128xbf16, #tpu.memory_space<hbm>>, %arg10: memref<10240x128xbf16, #tpu.memory_space<hbm>>, %arg11: memref<10240x16xf32, #tpu.memory_space<hbm>>, %arg12: memref<32x64xi32, #tpu.memory_space<vmem>>, %arg13: memref<32x64xi32, #tpu.memory_space<vmem>>, %arg14: memref<64x128xbf16, #tpu.memory_space<vmem>>, %arg15: memref<64x128xbf16, #tpu.memory_space<vmem>>, %arg16: memref<64x16xf32, #tpu.memory_space<vmem>>, %arg17: memref<16x128xbf16, #tpu.memory_space<vmem>>, %arg18: memref<64x16xf32, #tpu.memory_space<vmem>>, %arg19: memref<128x128xbf16, #tpu.memory_space<vmem>>, %arg20: memref<128x16xf32, #tpu.memory_space<vmem>>, %arg21: memref<10240x128xbf16, #tpu.memory_space<vmem_shared>>, %arg22: memref<10240x128xbf16, #tpu.memory_space<vmem_shared>>, %arg23: memref<10240x16xf32, #tpu.memory_space<vmem_shared>>, %arg24: memref<10240x16xf32, #tpu.memory_space<vmem_shared>>, %arg25: memref<!tpu.dma_semaphore, #tpu.memory_space<semaphore_mem>>, %arg26: memref<!tpu.dma_semaphore, #tpu.memory_space<semaphore_mem>>) attributes {dimension_semantics = [#tpu.dimension_semantics<core_parallel>, #tpu.dimension_semantics<subcore_parallel>], iteration_bounds = array<i64: 2, 16>, scalar_prefetch = 0 : i64, scratch_operands = 15 : i64, tpu.core_type = #tpu.core_type<sc_vector_subcore>, window_params = [{transform_indices = #map}, {transform_indices = #map}, {transform_indices = #map}, {transform_indices = #map}, {transform_indices = #map}, {transform_indices = #map}, {transform_indices = #map}, {transform_indices = #map}, {transform_indices = #map}, {transform_indices = #map}]} {
    %mul3A = arith.constant 640 : i32
    %mul3A_0 = arith.muli %arg1, %mul3A : i32
    "tpu.region"() ({
      %run_scoped3A = tpu.sem_alloc : memref<!tpu.dma_semaphore, #tpu.memory_space<semaphore_mem>>
      tpu.enqueue_dma source(%arg7 : memref<16x128xbf16, #tpu.memory_space<hbm>>) target(%arg17 : memref<16x128xbf16, #tpu.memory_space<vmem>>) target_semaphore(%run_scoped3A : memref<!tpu.dma_semaphore, #tpu.memory_space<semaphore_mem>>)
      tpu.wait_dma2 semaphore(%run_scoped3A : memref<!tpu.dma_semaphore, #tpu.memory_space<semaphore_mem>>) src(%arg7 : memref<16x128xbf16, #tpu.memory_space<hbm>>) dst(%arg17 : memref<16x128xbf16, #tpu.memory_space<vmem>>)
      tpu.yield
    }) : () -> ()
    "tpu.region"() ({
      %run_scoped3A = tpu.sem_alloc : memref<!tpu.dma_semaphore, #tpu.memory_space<semaphore_mem>>
      tpu.enqueue_dma source(%arg8 : memref<64x16xf32, #tpu.memory_space<hbm>>) target(%arg18 : memref<64x16xf32, #tpu.memory_space<vmem>>) target_semaphore(%run_scoped3A : memref<!tpu.dma_semaphore, #tpu.memory_space<semaphore_mem>>)
      tpu.wait_dma2 semaphore(%run_scoped3A : memref<!tpu.dma_semaphore, #tpu.memory_space<semaphore_mem>>) src(%arg8 : memref<64x16xf32, #tpu.memory_space<hbm>>) dst(%arg18 : memref<64x16xf32, #tpu.memory_space<vmem>>)
      tpu.yield
    }) : () -> ()
    "tpu.region"() ({
      %run_scoped3A = tpu.sem_alloc : memref<!tpu.dma_semaphore, #tpu.memory_space<semaphore_mem>>
      tpu.enqueue_dma source(%arg6 : memref<64x16xf32, #tpu.memory_space<hbm>>) target(%arg16 : memref<64x16xf32, #tpu.memory_space<vmem>>) target_semaphore(%run_scoped3A : memref<!tpu.dma_semaphore, #tpu.memory_space<semaphore_mem>>)
      tpu.wait_dma2 semaphore(%run_scoped3A : memref<!tpu.dma_semaphore, #tpu.memory_space<semaphore_mem>>) src(%arg6 : memref<64x16xf32, #tpu.memory_space<hbm>>) dst(%arg16 : memref<64x16xf32, #tpu.memory_space<vmem>>)
      tpu.yield
    }) : () -> ()
    %scan3A = arith.constant 0 : i32
    %scan3A_1 = arith.constant 0 : i32
    %scan3A_2 = arith.constant 40 : i32
    %scan3A_3 = arith.addi %scan3A_1, %scan3A_2 : i32
    %scan3A_4 = arith.constant 1 : i32
    scf.for %scan3A_44 = %scan3A_1 to %scan3A_3 step %scan3A_4  : i32 {
      %mul3A_45 = arith.constant 16 : i32
      %mul3A_46 = arith.muli %scan3A_44, %mul3A_45 : i32
      %add3A = arith.addi %mul3A_0, %mul3A_46 : i32
      "tpu.region"() ({
        %run_scoped3A = tpu.sem_alloc : memref<!tpu.dma_semaphore, #tpu.memory_space<semaphore_mem>>
        %dma_start3A = arith.constant 0 : i32
        %dma_start3A_50 = tpu.memref_slice %arg21[%add3A, %dma_start3A] : memref<10240x128xbf16, #tpu.memory_space<vmem_shared>> -> memref<16x128xbf16, #tpu.memory_space<vmem_shared>>
        %dma_start3A_51 = arith.constant 0 : i32
        %dma_start3A_52 = tpu.memref_slice %arg21[%add3A, %dma_start3A_51] : memref<10240x128xbf16, #tpu.memory_space<vmem_shared>> -> memref<16x128xbf16, #tpu.memory_space<vmem_shared>>
        tpu.enqueue_dma source(%arg17 : memref<16x128xbf16, #tpu.memory_space<vmem>>) target(%dma_start3A_52 : memref<16x128xbf16, #tpu.memory_space<vmem_shared>>) target_semaphore(%run_scoped3A : memref<!tpu.dma_semaphore, #tpu.memory_space<semaphore_mem>>)
        %dma_wait3A = arith.constant 0 : i32
        %dma_wait3A_53 = tpu.memref_slice %arg21[%add3A, %dma_wait3A] : memref<10240x128xbf16, #tpu.memory_space<vmem_shared>> -> memref<16x128xbf16, #tpu.memory_space<vmem_shared>>
        %dma_wait3A_54 = arith.constant 0 : i32
        %dma_wait3A_55 = tpu.memref_slice %arg21[%add3A, %dma_wait3A_54] : memref<10240x128xbf16, #tpu.memory_space<vmem_shared>> -> memref<16x128xbf16, #tpu.memory_space<vmem_shared>>
        tpu.wait_dma2 semaphore(%run_scoped3A : memref<!tpu.dma_semaphore, #tpu.memory_space<semaphore_mem>>) src(%arg17 : memref<16x128xbf16, #tpu.memory_space<vmem>>) dst(%dma_wait3A_55 : memref<16x128xbf16, #tpu.memory_space<vmem_shared>>)
        tpu.yield
      }) : () -> ()
      %mul3A_47 = arith.constant 16 : i32
      %mul3A_48 = arith.muli %scan3A_44, %mul3A_47 : i32
      %add3A_49 = arith.addi %mul3A_0, %mul3A_48 : i32
      "tpu.region"() ({
        %run_scoped3A = tpu.sem_alloc : memref<!tpu.dma_semaphore, #tpu.memory_space<semaphore_mem>>
        %dma_start3A = arith.constant 0 : i32
        %dma_start3A_50 = tpu.memref_slice %arg22[%add3A_49, %dma_start3A] : memref<10240x128xbf16, #tpu.memory_space<vmem_shared>> -> memref<16x128xbf16, #tpu.memory_space<vmem_shared>>
        %dma_start3A_51 = arith.constant 0 : i32
        %dma_start3A_52 = tpu.memref_slice %arg22[%add3A_49, %dma_start3A_51] : memref<10240x128xbf16, #tpu.memory_space<vmem_shared>> -> memref<16x128xbf16, #tpu.memory_space<vmem_shared>>
        tpu.enqueue_dma source(%arg17 : memref<16x128xbf16, #tpu.memory_space<vmem>>) target(%dma_start3A_52 : memref<16x128xbf16, #tpu.memory_space<vmem_shared>>) target_semaphore(%run_scoped3A : memref<!tpu.dma_semaphore, #tpu.memory_space<semaphore_mem>>)
        %dma_wait3A = arith.constant 0 : i32
        %dma_wait3A_53 = tpu.memref_slice %arg22[%add3A_49, %dma_wait3A] : memref<10240x128xbf16, #tpu.memory_space<vmem_shared>> -> memref<16x128xbf16, #tpu.memory_space<vmem_shared>>
        %dma_wait3A_54 = arith.constant 0 : i32
        %dma_wait3A_55 = tpu.memref_slice %arg22[%add3A_49, %dma_wait3A_54] : memref<10240x128xbf16, #tpu.memory_space<vmem_shared>> -> memref<16x128xbf16, #tpu.memory_space<vmem_shared>>
        tpu.wait_dma2 semaphore(%run_scoped3A : memref<!tpu.dma_semaphore, #tpu.memory_space<semaphore_mem>>) src(%arg17 : memref<16x128xbf16, #tpu.memory_space<vmem>>) dst(%dma_wait3A_55 : memref<16x128xbf16, #tpu.memory_space<vmem_shared>>)
        tpu.yield
      }) : () -> ()
    }
    %scan3A_5 = arith.constant 40 : i32
    %scan3A_6 = arith.constant 0 : i32
    %scan3A_7 = arith.constant 0 : i32
    %scan3A_8 = arith.constant 10 : i32
    %scan3A_9 = arith.addi %scan3A_7, %scan3A_8 : i32
    %scan3A_10 = arith.constant 1 : i32
    scf.for %scan3A_44 = %scan3A_7 to %scan3A_9 step %scan3A_10  : i32 {
      %mul3A_45 = arith.constant 64 : i32
      %mul3A_46 = arith.muli %scan3A_44, %mul3A_45 : i32
      %add3A = arith.addi %mul3A_0, %mul3A_46 : i32
      "tpu.region"() ({
        %run_scoped3A = tpu.sem_alloc : memref<!tpu.dma_semaphore, #tpu.memory_space<semaphore_mem>>
        %dma_start3A = arith.constant 0 : i32
        %dma_start3A_50 = tpu.memref_slice %arg23[%add3A, %dma_start3A] : memref<10240x16xf32, #tpu.memory_space<vmem_shared>> -> memref<64x16xf32, #tpu.memory_space<vmem_shared>>
        %dma_start3A_51 = arith.constant 0 : i32
        %dma_start3A_52 = tpu.memref_slice %arg23[%add3A, %dma_start3A_51] : memref<10240x16xf32, #tpu.memory_space<vmem_shared>> -> memref<64x16xf32, #tpu.memory_space<vmem_shared>>
        tpu.enqueue_dma source(%arg18 : memref<64x16xf32, #tpu.memory_space<vmem>>) target(%dma_start3A_52 : memref<64x16xf32, #tpu.memory_space<vmem_shared>>) target_semaphore(%run_scoped3A : memref<!tpu.dma_semaphore, #tpu.memory_space<semaphore_mem>>)
        %dma_wait3A = arith.constant 0 : i32
        %dma_wait3A_53 = tpu.memref_slice %arg23[%add3A, %dma_wait3A] : memref<10240x16xf32, #tpu.memory_space<vmem_shared>> -> memref<64x16xf32, #tpu.memory_space<vmem_shared>>
        %dma_wait3A_54 = arith.constant 0 : i32
        %dma_wait3A_55 = tpu.memref_slice %arg23[%add3A, %dma_wait3A_54] : memref<10240x16xf32, #tpu.memory_space<vmem_shared>> -> memref<64x16xf32, #tpu.memory_space<vmem_shared>>
        tpu.wait_dma2 semaphore(%run_scoped3A : memref<!tpu.dma_semaphore, #tpu.memory_space<semaphore_mem>>) src(%arg18 : memref<64x16xf32, #tpu.memory_space<vmem>>) dst(%dma_wait3A_55 : memref<64x16xf32, #tpu.memory_space<vmem_shared>>)
        tpu.yield
      }) : () -> ()
      %mul3A_47 = arith.constant 64 : i32
      %mul3A_48 = arith.muli %scan3A_44, %mul3A_47 : i32
      %add3A_49 = arith.addi %mul3A_0, %mul3A_48 : i32
      "tpu.region"() ({
        %run_scoped3A = tpu.sem_alloc : memref<!tpu.dma_semaphore, #tpu.memory_space<semaphore_mem>>
        %dma_start3A = arith.constant 0 : i32
        %dma_start3A_50 = tpu.memref_slice %arg24[%add3A_49, %dma_start3A] : memref<10240x16xf32, #tpu.memory_space<vmem_shared>> -> memref<64x16xf32, #tpu.memory_space<vmem_shared>>
        %dma_start3A_51 = arith.constant 0 : i32
        %dma_start3A_52 = tpu.memref_slice %arg24[%add3A_49, %dma_start3A_51] : memref<10240x16xf32, #tpu.memory_space<vmem_shared>> -> memref<64x16xf32, #tpu.memory_space<vmem_shared>>
        tpu.enqueue_dma source(%arg18 : memref<64x16xf32, #tpu.memory_space<vmem>>) target(%dma_start3A_52 : memref<64x16xf32, #tpu.memory_space<vmem_shared>>) target_semaphore(%run_scoped3A : memref<!tpu.dma_semaphore, #tpu.memory_space<semaphore_mem>>)
        %dma_wait3A = arith.constant 0 : i32
        %dma_wait3A_53 = tpu.memref_slice %arg24[%add3A_49, %dma_wait3A] : memref<10240x16xf32, #tpu.memory_space<vmem_shared>> -> memref<64x16xf32, #tpu.memory_space<vmem_shared>>
        %dma_wait3A_54 = arith.constant 0 : i32
        %dma_wait3A_55 = tpu.memref_slice %arg24[%add3A_49, %dma_wait3A_54] : memref<10240x16xf32, #tpu.memory_space<vmem_shared>> -> memref<64x16xf32, #tpu.memory_space<vmem_shared>>
        tpu.wait_dma2 semaphore(%run_scoped3A : memref<!tpu.dma_semaphore, #tpu.memory_space<semaphore_mem>>) src(%arg18 : memref<64x16xf32, #tpu.memory_space<vmem>>) dst(%dma_wait3A_55 : memref<64x16xf32, #tpu.memory_space<vmem_shared>>)
        tpu.yield
      }) : () -> ()
    }
    %scan3A_11 = arith.constant 10 : i32
    %barrier3A = arith.constant 0 : index
    tpu.barrier barrier_id(%barrier3A)
    %eq3A = arith.constant 0 : i32
    %eq3A_12 = arith.cmpi eq, %arg0, %eq3A : i32
    %convert_element_type3A = arith.extui %eq3A_12 : i1 to i32
    %cond3A = arith.constant 0 : i32
    %cond3A_13 = arith.cmpi ne, %convert_element_type3A, %cond3A : i32
    scf.if %cond3A_13 {
      %scan3A_44 = arith.constant 0 : i32
      %scan3A_45 = arith.constant 0 : i32
      %scan3A_46 = arith.constant 5 : i32
      %scan3A_47 = arith.addi %scan3A_45, %scan3A_46 : i32
      %scan3A_48 = arith.constant 1 : i32
      scf.for %scan3A_50 = %scan3A_45 to %scan3A_47 step %scan3A_48  : i32 {
        %mul3A_51 = arith.constant 160 : i32
        %mul3A_52 = arith.muli %arg1, %mul3A_51 : i32
        %mul3A_53 = arith.constant 32 : i32
        %mul3A_54 = arith.muli %scan3A_50, %mul3A_53 : i32
        %add3A = arith.addi %mul3A_52, %mul3A_54 : i32
        "tpu.region"() ({
          %run_scoped3A = tpu.sem_alloc : memref<!tpu.dma_semaphore, #tpu.memory_space<semaphore_mem>>
          %dma_start3A_74 = arith.constant 0 : i32
          %dma_start3A_75 = tpu.memref_slice %arg4[%add3A, %dma_start3A_74] : memref<2560x64xi32, #tpu.memory_space<hbm>> -> memref<32x64xi32, #tpu.memory_space<hbm>>
          %dma_start3A_76 = arith.constant 0 : i32
          %dma_start3A_77 = tpu.memref_slice %arg4[%add3A, %dma_start3A_76] : memref<2560x64xi32, #tpu.memory_space<hbm>> -> memref<32x64xi32, #tpu.memory_space<hbm>>
          tpu.enqueue_dma source(%dma_start3A_77 : memref<32x64xi32, #tpu.memory_space<hbm>>) target(%arg12 : memref<32x64xi32, #tpu.memory_space<vmem>>) target_semaphore(%run_scoped3A : memref<!tpu.dma_semaphore, #tpu.memory_space<semaphore_mem>>)
          %dma_wait3A = arith.constant 0 : i32
          %dma_wait3A_78 = tpu.memref_slice %arg4[%add3A, %dma_wait3A] : memref<2560x64xi32, #tpu.memory_space<hbm>> -> memref<32x64xi32, #tpu.memory_space<hbm>>
          %dma_wait3A_79 = arith.constant 0 : i32
          %dma_wait3A_80 = tpu.memref_slice %arg4[%add3A, %dma_wait3A_79] : memref<2560x64xi32, #tpu.memory_space<hbm>> -> memref<32x64xi32, #tpu.memory_space<hbm>>
          tpu.wait_dma2 semaphore(%run_scoped3A : memref<!tpu.dma_semaphore, #tpu.memory_space<semaphore_mem>>) src(%dma_wait3A_80 : memref<32x64xi32, #tpu.memory_space<hbm>>) dst(%arg12 : memref<32x64xi32, #tpu.memory_space<vmem>>)
          tpu.yield
        }) : () -> ()
        "tpu.region"() ({
          %run_scoped3A = tpu.sem_alloc : memref<!tpu.dma_semaphore, #tpu.memory_space<semaphore_mem>>
          %dma_start3A_74 = arith.constant 0 : i32
          %dma_start3A_75 = tpu.memref_slice %arg5[%add3A, %dma_start3A_74] : memref<2560x64xi32, #tpu.memory_space<hbm>> -> memref<32x64xi32, #tpu.memory_space<hbm>>
          %dma_start3A_76 = arith.constant 0 : i32
          %dma_start3A_77 = tpu.memref_slice %arg5[%add3A, %dma_start3A_76] : memref<2560x64xi32, #tpu.memory_space<hbm>> -> memref<32x64xi32, #tpu.memory_space<hbm>>
          tpu.enqueue_dma source(%dma_start3A_77 : memref<32x64xi32, #tpu.memory_space<hbm>>) target(%arg13 : memref<32x64xi32, #tpu.memory_space<vmem>>) target_semaphore(%run_scoped3A : memref<!tpu.dma_semaphore, #tpu.memory_space<semaphore_mem>>)
          %dma_wait3A = arith.constant 0 : i32
          %dma_wait3A_78 = tpu.memref_slice %arg5[%add3A, %dma_wait3A] : memref<2560x64xi32, #tpu.memory_space<hbm>> -> memref<32x64xi32, #tpu.memory_space<hbm>>
          %dma_wait3A_79 = arith.constant 0 : i32
          %dma_wait3A_80 = tpu.memref_slice %arg5[%add3A, %dma_wait3A_79] : memref<2560x64xi32, #tpu.memory_space<hbm>> -> memref<32x64xi32, #tpu.memory_space<hbm>>
          tpu.wait_dma2 semaphore(%run_scoped3A : memref<!tpu.dma_semaphore, #tpu.memory_space<semaphore_mem>>) src(%dma_wait3A_80 : memref<32x64xi32, #tpu.memory_space<hbm>>) dst(%arg13 : memref<32x64xi32, #tpu.memory_space<vmem>>)
          tpu.yield
        }) : () -> ()
        %dma_start3A = arith.constant 0 : i32
        %dma_start3A_55 = arith.constant 0 : i32
        %dma_start3A_56 = tpu.memref_slice %arg12[%dma_start3A, %dma_start3A_55] : memref<32x64xi32, #tpu.memory_space<vmem>> -> memref<1x64xi32, #tpu.memory_space<vmem>>
        %dma_start3A_57 = tpu.memref_squeeze %dma_start3A_56 : memref<1x64xi32, #tpu.memory_space<vmem>> -> memref<64xi32, #tpu.memory_space<vmem>>
        %dma_start3A_58 = arith.constant 0 : i32
        %dma_start3A_59 = arith.constant 0 : i32
        %dma_start3A_60 = tpu.memref_slice %arg2[%dma_start3A_58, %dma_start3A_59] : memref<10240x128xbf16, #tpu.memory_space<hbm>> -> memref<10240x128xbf16, #tpu.memory_space<hbm>>
        tpu.enqueue_indirect_dma source(%dma_start3A_60 : memref<10240x128xbf16, #tpu.memory_space<hbm>>) target(%arg14 : memref<64x128xbf16, #tpu.memory_space<vmem>>) offsets(%dma_start3A_57 : memref<64xi32, #tpu.memory_space<vmem>>) semaphore(%arg25 : memref<!tpu.dma_semaphore, #tpu.memory_space<semaphore_mem>>)
        %dma_start3A_61 = arith.constant 1 : i32
        %dma_start3A_62 = arith.constant 0 : i32
        %dma_start3A_63 = tpu.memref_slice %arg12[%dma_start3A_61, %dma_start3A_62] : memref<32x64xi32, #tpu.memory_space<vmem>> -> memref<1x64xi32, #tpu.memory_space<vmem>>
        %dma_start3A_64 = tpu.memref_squeeze %dma_start3A_63 : memref<1x64xi32, #tpu.memory_space<vmem>> -> memref<64xi32, #tpu.memory_space<vmem>>
        %dma_start3A_65 = arith.constant 0 : i32
        %dma_start3A_66 = arith.constant 0 : i32
        %dma_start3A_67 = tpu.memref_slice %arg2[%dma_start3A_65, %dma_start3A_66] : memref<10240x128xbf16, #tpu.memory_space<hbm>> -> memref<10240x128xbf16, #tpu.memory_space<hbm>>
        tpu.enqueue_indirect_dma source(%dma_start3A_67 : memref<10240x128xbf16, #tpu.memory_space<hbm>>) target(%arg15 : memref<64x128xbf16, #tpu.memory_space<vmem>>) offsets(%dma_start3A_64 : memref<64xi32, #tpu.memory_space<vmem>>) semaphore(%arg26 : memref<!tpu.dma_semaphore, #tpu.memory_space<semaphore_mem>>)
        %scan3A_68 = arith.constant 0 : i32
        %scan3A_69 = arith.constant 0 : i32
        %scan3A_70 = arith.constant 16 : i32
        %scan3A_71 = arith.addi %scan3A_69, %scan3A_70 : i32
        %scan3A_72 = arith.constant 1 : i32
        scf.for %scan3A_74 = %scan3A_69 to %scan3A_71 step %scan3A_72  : i32 {
          %mul3A_75 = arith.constant 2 : i32
          %mul3A_76 = arith.muli %mul3A_75, %scan3A_74 : i32
          %add3A_77 = arith.constant 0 : i32
          %add3A_78 = arith.addi %mul3A_76, %add3A_77 : i32
          %dma_wait3A = arith.constant 0 : i32
          %dma_wait3A_79 = tpu.memref_slice %arg12[%add3A_78, %dma_wait3A] : memref<32x64xi32, #tpu.memory_space<vmem>> -> memref<1x64xi32, #tpu.memory_space<vmem>>
          %dma_wait3A_80 = tpu.memref_squeeze %dma_wait3A_79 : memref<1x64xi32, #tpu.memory_space<vmem>> -> memref<64xi32, #tpu.memory_space<vmem>>
          %dma_wait3A_81 = arith.constant 0 : i32
          %dma_wait3A_82 = arith.constant 0 : i32
          %dma_wait3A_83 = tpu.memref_slice %arg2[%dma_wait3A_81, %dma_wait3A_82] : memref<10240x128xbf16, #tpu.memory_space<hbm>> -> memref<10240x128xbf16, #tpu.memory_space<hbm>>
          tpu.wait_indirect_dma semaphore(%arg25 : memref<!tpu.dma_semaphore, #tpu.memory_space<semaphore_mem>>) src(%dma_wait3A_83 : memref<10240x128xbf16, #tpu.memory_space<hbm>>) dst(%arg14 : memref<64x128xbf16, #tpu.memory_space<vmem>>)
          "tpu.region"() ({
            %run_scoped3A = tpu.sem_alloc : memref<!tpu.dma_semaphore, #tpu.memory_space<semaphore_mem>>
            %dma_start3A_107 = arith.constant 0 : i32
            %dma_start3A_108 = tpu.memref_slice %arg13[%add3A_78, %dma_start3A_107] : memref<32x64xi32, #tpu.memory_space<vmem>> -> memref<1x64xi32, #tpu.memory_space<vmem>>
            %dma_start3A_109 = tpu.memref_squeeze %dma_start3A_108 : memref<1x64xi32, #tpu.memory_space<vmem>> -> memref<64xi32, #tpu.memory_space<vmem>>
            %dma_start3A_110 = arith.constant 0 : i32
            %dma_start3A_111 = arith.constant 0 : i32
            %dma_start3A_112 = tpu.memref_slice %arg21[%dma_start3A_110, %dma_start3A_111] : memref<10240x128xbf16, #tpu.memory_space<vmem_shared>> -> memref<10240x128xbf16, #tpu.memory_space<vmem_shared>>
            tpu.enqueue_indirect_dma source(%arg14 : memref<64x128xbf16, #tpu.memory_space<vmem>>) target(%dma_start3A_112 : memref<10240x128xbf16, #tpu.memory_space<vmem_shared>>) offsets(%dma_start3A_109 : memref<64xi32, #tpu.memory_space<vmem>>) semaphore(%run_scoped3A : memref<!tpu.dma_semaphore, #tpu.memory_space<semaphore_mem>>) {add = true}
            %dma_wait3A_113 = arith.constant 0 : i32
            %dma_wait3A_114 = tpu.memref_slice %arg13[%add3A_78, %dma_wait3A_113] : memref<32x64xi32, #tpu.memory_space<vmem>> -> memref<1x64xi32, #tpu.memory_space<vmem>>
            %dma_wait3A_115 = tpu.memref_squeeze %dma_wait3A_114 : memref<1x64xi32, #tpu.memory_space<vmem>> -> memref<64xi32, #tpu.memory_space<vmem>>
            %dma_wait3A_116 = arith.constant 0 : i32
            %dma_wait3A_117 = arith.constant 0 : i32
            %dma_wait3A_118 = tpu.memref_slice %arg21[%dma_wait3A_116, %dma_wait3A_117] : memref<10240x128xbf16, #tpu.memory_space<vmem_shared>> -> memref<10240x128xbf16, #tpu.memory_space<vmem_shared>>
            tpu.wait_indirect_dma semaphore(%run_scoped3A : memref<!tpu.dma_semaphore, #tpu.memory_space<semaphore_mem>>) src(%arg14 : memref<64x128xbf16, #tpu.memory_space<vmem>>) dst(%dma_wait3A_118 : memref<10240x128xbf16, #tpu.memory_space<vmem_shared>>)
            tpu.yield
          }) : () -> ()
          "tpu.region"() ({
            %run_scoped3A = tpu.sem_alloc : memref<!tpu.dma_semaphore, #tpu.memory_space<semaphore_mem>>
            %dma_start3A_107 = arith.constant 0 : i32
            %dma_start3A_108 = tpu.memref_slice %arg13[%add3A_78, %dma_start3A_107] : memref<32x64xi32, #tpu.memory_space<vmem>> -> memref<1x64xi32, #tpu.memory_space<vmem>>
            %dma_start3A_109 = tpu.memref_squeeze %dma_start3A_108 : memref<1x64xi32, #tpu.memory_space<vmem>> -> memref<64xi32, #tpu.memory_space<vmem>>
            %dma_start3A_110 = arith.constant 0 : i32
            %dma_start3A_111 = arith.constant 0 : i32
            %dma_start3A_112 = tpu.memref_slice %arg23[%dma_start3A_110, %dma_start3A_111] : memref<10240x16xf32, #tpu.memory_space<vmem_shared>> -> memref<10240x16xf32, #tpu.memory_space<vmem_shared>>
            tpu.enqueue_indirect_dma source(%arg16 : memref<64x16xf32, #tpu.memory_space<vmem>>) target(%dma_start3A_112 : memref<10240x16xf32, #tpu.memory_space<vmem_shared>>) offsets(%dma_start3A_109 : memref<64xi32, #tpu.memory_space<vmem>>) semaphore(%run_scoped3A : memref<!tpu.dma_semaphore, #tpu.memory_space<semaphore_mem>>) {add = true}
            %dma_wait3A_113 = arith.constant 0 : i32
            %dma_wait3A_114 = tpu.memref_slice %arg13[%add3A_78, %dma_wait3A_113] : memref<32x64xi32, #tpu.memory_space<vmem>> -> memref<1x64xi32, #tpu.memory_space<vmem>>
            %dma_wait3A_115 = tpu.memref_squeeze %dma_wait3A_114 : memref<1x64xi32, #tpu.memory_space<vmem>> -> memref<64xi32, #tpu.memory_space<vmem>>
            %dma_wait3A_116 = arith.constant 0 : i32
            %dma_wait3A_117 = arith.constant 0 : i32
            %dma_wait3A_118 = tpu.memref_slice %arg23[%dma_wait3A_116, %dma_wait3A_117] : memref<10240x16xf32, #tpu.memory_space<vmem_shared>> -> memref<10240x16xf32, #tpu.memory_space<vmem_shared>>
            tpu.wait_indirect_dma semaphore(%run_scoped3A : memref<!tpu.dma_semaphore, #tpu.memory_space<semaphore_mem>>) src(%arg16 : memref<64x16xf32, #tpu.memory_space<vmem>>) dst(%dma_wait3A_118 : memref<10240x16xf32, #tpu.memory_space<vmem_shared>>)
            tpu.yield
          }) : () -> ()
          %add3A_84 = arith.constant 2 : i32
          %add3A_85 = arith.addi %add3A_78, %add3A_84 : i32
          %lt3A = arith.constant 32 : i32
          %lt3A_86 = arith.cmpi slt, %add3A_85, %lt3A : i32
          %convert_element_type3A_87 = arith.extui %lt3A_86 : i1 to i32
          %cond3A_88 = arith.constant 0 : i32
          %cond3A_89 = arith.cmpi ne, %convert_element_type3A_87, %cond3A_88 : i32
          scf.if %cond3A_89 {
            %add3A_107 = arith.constant 2 : i32
            %add3A_108 = arith.addi %add3A_78, %add3A_107 : i32
            %dma_start3A_109 = arith.constant 0 : i32
            %dma_start3A_110 = tpu.memref_slice %arg12[%add3A_108, %dma_start3A_109] : memref<32x64xi32, #tpu.memory_space<vmem>> -> memref<1x64xi32, #tpu.memory_space<vmem>>
            %dma_start3A_111 = tpu.memref_squeeze %dma_start3A_110 : memref<1x64xi32, #tpu.memory_space<vmem>> -> memref<64xi32, #tpu.memory_space<vmem>>
            %dma_start3A_112 = arith.constant 0 : i32
            %dma_start3A_113 = arith.constant 0 : i32
            %dma_start3A_114 = tpu.memref_slice %arg2[%dma_start3A_112, %dma_start3A_113] : memref<10240x128xbf16, #tpu.memory_space<hbm>> -> memref<10240x128xbf16, #tpu.memory_space<hbm>>
            tpu.enqueue_indirect_dma source(%dma_start3A_114 : memref<10240x128xbf16, #tpu.memory_space<hbm>>) target(%arg14 : memref<64x128xbf16, #tpu.memory_space<vmem>>) offsets(%dma_start3A_111 : memref<64xi32, #tpu.memory_space<vmem>>) semaphore(%arg25 : memref<!tpu.dma_semaphore, #tpu.memory_space<semaphore_mem>>)
          } else {
          }
          %mul3A_90 = arith.constant 2 : i32
          %mul3A_91 = arith.muli %mul3A_90, %scan3A_74 : i32
          %add3A_92 = arith.constant 1 : i32
          %add3A_93 = arith.addi %mul3A_91, %add3A_92 : i32
          %dma_wait3A_94 = arith.constant 0 : i32
          %dma_wait3A_95 = tpu.memref_slice %arg12[%add3A_93, %dma_wait3A_94] : memref<32x64xi32, #tpu.memory_space<vmem>> -> memref<1x64xi32, #tpu.memory_space<vmem>>
          %dma_wait3A_96 = tpu.memref_squeeze %dma_wait3A_95 : memref<1x64xi32, #tpu.memory_space<vmem>> -> memref<64xi32, #tpu.memory_space<vmem>>
          %dma_wait3A_97 = arith.constant 0 : i32
          %dma_wait3A_98 = arith.constant 0 : i32
          %dma_wait3A_99 = tpu.memref_slice %arg2[%dma_wait3A_97, %dma_wait3A_98] : memref<10240x128xbf16, #tpu.memory_space<hbm>> -> memref<10240x128xbf16, #tpu.memory_space<hbm>>
          tpu.wait_indirect_dma semaphore(%arg26 : memref<!tpu.dma_semaphore, #tpu.memory_space<semaphore_mem>>) src(%dma_wait3A_99 : memref<10240x128xbf16, #tpu.memory_space<hbm>>) dst(%arg15 : memref<64x128xbf16, #tpu.memory_space<vmem>>)
          "tpu.region"() ({
            %run_scoped3A = tpu.sem_alloc : memref<!tpu.dma_semaphore, #tpu.memory_space<semaphore_mem>>
            %dma_start3A_107 = arith.constant 0 : i32
            %dma_start3A_108 = tpu.memref_slice %arg13[%add3A_93, %dma_start3A_107] : memref<32x64xi32, #tpu.memory_space<vmem>> -> memref<1x64xi32, #tpu.memory_space<vmem>>
            %dma_start3A_109 = tpu.memref_squeeze %dma_start3A_108 : memref<1x64xi32, #tpu.memory_space<vmem>> -> memref<64xi32, #tpu.memory_space<vmem>>
            %dma_start3A_110 = arith.constant 0 : i32
            %dma_start3A_111 = arith.constant 0 : i32
            %dma_start3A_112 = tpu.memref_slice %arg21[%dma_start3A_110, %dma_start3A_111] : memref<10240x128xbf16, #tpu.memory_space<vmem_shared>> -> memref<10240x128xbf16, #tpu.memory_space<vmem_shared>>
            tpu.enqueue_indirect_dma source(%arg15 : memref<64x128xbf16, #tpu.memory_space<vmem>>) target(%dma_start3A_112 : memref<10240x128xbf16, #tpu.memory_space<vmem_shared>>) offsets(%dma_start3A_109 : memref<64xi32, #tpu.memory_space<vmem>>) semaphore(%run_scoped3A : memref<!tpu.dma_semaphore, #tpu.memory_space<semaphore_mem>>) {add = true}
            %dma_wait3A_113 = arith.constant 0 : i32
            %dma_wait3A_114 = tpu.memref_slice %arg13[%add3A_93, %dma_wait3A_113] : memref<32x64xi32, #tpu.memory_space<vmem>> -> memref<1x64xi32, #tpu.memory_space<vmem>>
            %dma_wait3A_115 = tpu.memref_squeeze %dma_wait3A_114 : memref<1x64xi32, #tpu.memory_space<vmem>> -> memref<64xi32, #tpu.memory_space<vmem>>
            %dma_wait3A_116 = arith.constant 0 : i32
            %dma_wait3A_117 = arith.constant 0 : i32
            %dma_wait3A_118 = tpu.memref_slice %arg21[%dma_wait3A_116, %dma_wait3A_117] : memref<10240x128xbf16, #tpu.memory_space<vmem_shared>> -> memref<10240x128xbf16, #tpu.memory_space<vmem_shared>>
            tpu.wait_indirect_dma semaphore(%run_scoped3A : memref<!tpu.dma_semaphore, #tpu.memory_space<semaphore_mem>>) src(%arg15 : memref<64x128xbf16, #tpu.memory_space<vmem>>) dst(%dma_wait3A_118 : memref<10240x128xbf16, #tpu.memory_space<vmem_shared>>)
            tpu.yield
          }) : () -> ()
          "tpu.region"() ({
            %run_scoped3A = tpu.sem_alloc : memref<!tpu.dma_semaphore, #tpu.memory_space<semaphore_mem>>
            %dma_start3A_107 = arith.constant 0 : i32
            %dma_start3A_108 = tpu.memref_slice %arg13[%add3A_93, %dma_start3A_107] : memref<32x64xi32, #tpu.memory_space<vmem>> -> memref<1x64xi32, #tpu.memory_space<vmem>>
            %dma_start3A_109 = tpu.memref_squeeze %dma_start3A_108 : memref<1x64xi32, #tpu.memory_space<vmem>> -> memref<64xi32, #tpu.memory_space<vmem>>
            %dma_start3A_110 = arith.constant 0 : i32
            %dma_start3A_111 = arith.constant 0 : i32
            %dma_start3A_112 = tpu.memref_slice %arg23[%dma_start3A_110, %dma_start3A_111] : memref<10240x16xf32, #tpu.memory_space<vmem_shared>> -> memref<10240x16xf32, #tpu.memory_space<vmem_shared>>
            tpu.enqueue_indirect_dma source(%arg16 : memref<64x16xf32, #tpu.memory_space<vmem>>) target(%dma_start3A_112 : memref<10240x16xf32, #tpu.memory_space<vmem_shared>>) offsets(%dma_start3A_109 : memref<64xi32, #tpu.memory_space<vmem>>) semaphore(%run_scoped3A : memref<!tpu.dma_semaphore, #tpu.memory_space<semaphore_mem>>) {add = true}
            %dma_wait3A_113 = arith.constant 0 : i32
            %dma_wait3A_114 = tpu.memref_slice %arg13[%add3A_93, %dma_wait3A_113] : memref<32x64xi32, #tpu.memory_space<vmem>> -> memref<1x64xi32, #tpu.memory_space<vmem>>
            %dma_wait3A_115 = tpu.memref_squeeze %dma_wait3A_114 : memref<1x64xi32, #tpu.memory_space<vmem>> -> memref<64xi32, #tpu.memory_space<vmem>>
            %dma_wait3A_116 = arith.constant 0 : i32
            %dma_wait3A_117 = arith.constant 0 : i32
            %dma_wait3A_118 = tpu.memref_slice %arg23[%dma_wait3A_116, %dma_wait3A_117] : memref<10240x16xf32, #tpu.memory_space<vmem_shared>> -> memref<10240x16xf32, #tpu.memory_space<vmem_shared>>
            tpu.wait_indirect_dma semaphore(%run_scoped3A : memref<!tpu.dma_semaphore, #tpu.memory_space<semaphore_mem>>) src(%arg16 : memref<64x16xf32, #tpu.memory_space<vmem>>) dst(%dma_wait3A_118 : memref<10240x16xf32, #tpu.memory_space<vmem_shared>>)
            tpu.yield
          }) : () -> ()
          %add3A_100 = arith.constant 2 : i32
          %add3A_101 = arith.addi %add3A_93, %add3A_100 : i32
          %lt3A_102 = arith.constant 32 : i32
          %lt3A_103 = arith.cmpi slt, %add3A_101, %lt3A_102 : i32
          %convert_element_type3A_104 = arith.extui %lt3A_103 : i1 to i32
          %cond3A_105 = arith.constant 0 : i32
          %cond3A_106 = arith.cmpi ne, %convert_element_type3A_104, %cond3A_105 : i32
          scf.if %cond3A_106 {
            %add3A_107 = arith.constant 2 : i32
            %add3A_108 = arith.addi %add3A_93, %add3A_107 : i32
            %dma_start3A_109 = arith.constant 0 : i32
            %dma_start3A_110 = tpu.memref_slice %arg12[%add3A_108, %dma_start3A_109] : memref<32x64xi32, #tpu.memory_space<vmem>> -> memref<1x64xi32, #tpu.memory_space<vmem>>
            %dma_start3A_111 = tpu.memref_squeeze %dma_start3A_110 : memref<1x64xi32, #tpu.memory_space<vmem>> -> memref<64xi32, #tpu.memory_space<vmem>>
            %dma_start3A_112 = arith.constant 0 : i32
            %dma_start3A_113 = arith.constant 0 : i32
            %dma_start3A_114 = tpu.memref_slice %arg2[%dma_start3A_112, %dma_start3A_113] : memref<10240x128xbf16, #tpu.memory_space<hbm>> -> memref<10240x128xbf16, #tpu.memory_space<hbm>>
            tpu.enqueue_indirect_dma source(%dma_start3A_114 : memref<10240x128xbf16, #tpu.memory_space<hbm>>) target(%arg15 : memref<64x128xbf16, #tpu.memory_space<vmem>>) offsets(%dma_start3A_111 : memref<64xi32, #tpu.memory_space<vmem>>) semaphore(%arg26 : memref<!tpu.dma_semaphore, #tpu.memory_space<semaphore_mem>>)
          } else {
          }
        }
        %scan3A_73 = arith.constant 16 : i32
      }
      %scan3A_49 = arith.constant 5 : i32
    } else {
    }
    %eq3A_14 = arith.constant 1 : i32
    %eq3A_15 = arith.cmpi eq, %arg0, %eq3A_14 : i32
    %convert_element_type3A_16 = arith.extui %eq3A_15 : i1 to i32
    %cond3A_17 = arith.constant 0 : i32
    %cond3A_18 = arith.cmpi ne, %convert_element_type3A_16, %cond3A_17 : i32
    scf.if %cond3A_18 {
      %scan3A_44 = arith.constant 0 : i32
      %scan3A_45 = arith.constant 0 : i32
      %scan3A_46 = arith.constant 5 : i32
      %scan3A_47 = arith.addi %scan3A_45, %scan3A_46 : i32
      %scan3A_48 = arith.constant 1 : i32
      scf.for %scan3A_50 = %scan3A_45 to %scan3A_47 step %scan3A_48  : i32 {
        %mul3A_51 = arith.constant 160 : i32
        %mul3A_52 = arith.muli %arg1, %mul3A_51 : i32
        %mul3A_53 = arith.constant 32 : i32
        %mul3A_54 = arith.muli %scan3A_50, %mul3A_53 : i32
        %add3A = arith.addi %mul3A_52, %mul3A_54 : i32
        "tpu.region"() ({
          %run_scoped3A = tpu.sem_alloc : memref<!tpu.dma_semaphore, #tpu.memory_space<semaphore_mem>>
          %dma_start3A_74 = arith.constant 0 : i32
          %dma_start3A_75 = tpu.memref_slice %arg4[%add3A, %dma_start3A_74] : memref<2560x64xi32, #tpu.memory_space<hbm>> -> memref<32x64xi32, #tpu.memory_space<hbm>>
          %dma_start3A_76 = arith.constant 0 : i32
          %dma_start3A_77 = tpu.memref_slice %arg4[%add3A, %dma_start3A_76] : memref<2560x64xi32, #tpu.memory_space<hbm>> -> memref<32x64xi32, #tpu.memory_space<hbm>>
          tpu.enqueue_dma source(%dma_start3A_77 : memref<32x64xi32, #tpu.memory_space<hbm>>) target(%arg12 : memref<32x64xi32, #tpu.memory_space<vmem>>) target_semaphore(%run_scoped3A : memref<!tpu.dma_semaphore, #tpu.memory_space<semaphore_mem>>)
          %dma_wait3A = arith.constant 0 : i32
          %dma_wait3A_78 = tpu.memref_slice %arg4[%add3A, %dma_wait3A] : memref<2560x64xi32, #tpu.memory_space<hbm>> -> memref<32x64xi32, #tpu.memory_space<hbm>>
          %dma_wait3A_79 = arith.constant 0 : i32
          %dma_wait3A_80 = tpu.memref_slice %arg4[%add3A, %dma_wait3A_79] : memref<2560x64xi32, #tpu.memory_space<hbm>> -> memref<32x64xi32, #tpu.memory_space<hbm>>
          tpu.wait_dma2 semaphore(%run_scoped3A : memref<!tpu.dma_semaphore, #tpu.memory_space<semaphore_mem>>) src(%dma_wait3A_80 : memref<32x64xi32, #tpu.memory_space<hbm>>) dst(%arg12 : memref<32x64xi32, #tpu.memory_space<vmem>>)
          tpu.yield
        }) : () -> ()
        "tpu.region"() ({
          %run_scoped3A = tpu.sem_alloc : memref<!tpu.dma_semaphore, #tpu.memory_space<semaphore_mem>>
          %dma_start3A_74 = arith.constant 0 : i32
          %dma_start3A_75 = tpu.memref_slice %arg5[%add3A, %dma_start3A_74] : memref<2560x64xi32, #tpu.memory_space<hbm>> -> memref<32x64xi32, #tpu.memory_space<hbm>>
          %dma_start3A_76 = arith.constant 0 : i32
          %dma_start3A_77 = tpu.memref_slice %arg5[%add3A, %dma_start3A_76] : memref<2560x64xi32, #tpu.memory_space<hbm>> -> memref<32x64xi32, #tpu.memory_space<hbm>>
          tpu.enqueue_dma source(%dma_start3A_77 : memref<32x64xi32, #tpu.memory_space<hbm>>) target(%arg13 : memref<32x64xi32, #tpu.memory_space<vmem>>) target_semaphore(%run_scoped3A : memref<!tpu.dma_semaphore, #tpu.memory_space<semaphore_mem>>)
          %dma_wait3A = arith.constant 0 : i32
          %dma_wait3A_78 = tpu.memref_slice %arg5[%add3A, %dma_wait3A] : memref<2560x64xi32, #tpu.memory_space<hbm>> -> memref<32x64xi32, #tpu.memory_space<hbm>>
          %dma_wait3A_79 = arith.constant 0 : i32
          %dma_wait3A_80 = tpu.memref_slice %arg5[%add3A, %dma_wait3A_79] : memref<2560x64xi32, #tpu.memory_space<hbm>> -> memref<32x64xi32, #tpu.memory_space<hbm>>
          tpu.wait_dma2 semaphore(%run_scoped3A : memref<!tpu.dma_semaphore, #tpu.memory_space<semaphore_mem>>) src(%dma_wait3A_80 : memref<32x64xi32, #tpu.memory_space<hbm>>) dst(%arg13 : memref<32x64xi32, #tpu.memory_space<vmem>>)
          tpu.yield
        }) : () -> ()
        %dma_start3A = arith.constant 0 : i32
        %dma_start3A_55 = arith.constant 0 : i32
        %dma_start3A_56 = tpu.memref_slice %arg12[%dma_start3A, %dma_start3A_55] : memref<32x64xi32, #tpu.memory_space<vmem>> -> memref<1x64xi32, #tpu.memory_space<vmem>>
        %dma_start3A_57 = tpu.memref_squeeze %dma_start3A_56 : memref<1x64xi32, #tpu.memory_space<vmem>> -> memref<64xi32, #tpu.memory_space<vmem>>
        %dma_start3A_58 = arith.constant 0 : i32
        %dma_start3A_59 = arith.constant 0 : i32
        %dma_start3A_60 = tpu.memref_slice %arg3[%dma_start3A_58, %dma_start3A_59] : memref<10240x128xbf16, #tpu.memory_space<hbm>> -> memref<10240x128xbf16, #tpu.memory_space<hbm>>
        tpu.enqueue_indirect_dma source(%dma_start3A_60 : memref<10240x128xbf16, #tpu.memory_space<hbm>>) target(%arg14 : memref<64x128xbf16, #tpu.memory_space<vmem>>) offsets(%dma_start3A_57 : memref<64xi32, #tpu.memory_space<vmem>>) semaphore(%arg25 : memref<!tpu.dma_semaphore, #tpu.memory_space<semaphore_mem>>)
        %dma_start3A_61 = arith.constant 1 : i32
        %dma_start3A_62 = arith.constant 0 : i32
        %dma_start3A_63 = tpu.memref_slice %arg12[%dma_start3A_61, %dma_start3A_62] : memref<32x64xi32, #tpu.memory_space<vmem>> -> memref<1x64xi32, #tpu.memory_space<vmem>>
        %dma_start3A_64 = tpu.memref_squeeze %dma_start3A_63 : memref<1x64xi32, #tpu.memory_space<vmem>> -> memref<64xi32, #tpu.memory_space<vmem>>
        %dma_start3A_65 = arith.constant 0 : i32
        %dma_start3A_66 = arith.constant 0 : i32
        %dma_start3A_67 = tpu.memref_slice %arg3[%dma_start3A_65, %dma_start3A_66] : memref<10240x128xbf16, #tpu.memory_space<hbm>> -> memref<10240x128xbf16, #tpu.memory_space<hbm>>
        tpu.enqueue_indirect_dma source(%dma_start3A_67 : memref<10240x128xbf16, #tpu.memory_space<hbm>>) target(%arg15 : memref<64x128xbf16, #tpu.memory_space<vmem>>) offsets(%dma_start3A_64 : memref<64xi32, #tpu.memory_space<vmem>>) semaphore(%arg26 : memref<!tpu.dma_semaphore, #tpu.memory_space<semaphore_mem>>)
        %scan3A_68 = arith.constant 0 : i32
        %scan3A_69 = arith.constant 0 : i32
        %scan3A_70 = arith.constant 16 : i32
        %scan3A_71 = arith.addi %scan3A_69, %scan3A_70 : i32
        %scan3A_72 = arith.constant 1 : i32
        scf.for %scan3A_74 = %scan3A_69 to %scan3A_71 step %scan3A_72  : i32 {
          %mul3A_75 = arith.constant 2 : i32
          %mul3A_76 = arith.muli %mul3A_75, %scan3A_74 : i32
          %add3A_77 = arith.constant 0 : i32
          %add3A_78 = arith.addi %mul3A_76, %add3A_77 : i32
          %dma_wait3A = arith.constant 0 : i32
          %dma_wait3A_79 = tpu.memref_slice %arg12[%add3A_78, %dma_wait3A] : memref<32x64xi32, #tpu.memory_space<vmem>> -> memref<1x64xi32, #tpu.memory_space<vmem>>
          %dma_wait3A_80 = tpu.memref_squeeze %dma_wait3A_79 : memref<1x64xi32, #tpu.memory_space<vmem>> -> memref<64xi32, #tpu.memory_space<vmem>>
          %dma_wait3A_81 = arith.constant 0 : i32
          %dma_wait3A_82 = arith.constant 0 : i32
          %dma_wait3A_83 = tpu.memref_slice %arg3[%dma_wait3A_81, %dma_wait3A_82] : memref<10240x128xbf16, #tpu.memory_space<hbm>> -> memref<10240x128xbf16, #tpu.memory_space<hbm>>
          tpu.wait_indirect_dma semaphore(%arg25 : memref<!tpu.dma_semaphore, #tpu.memory_space<semaphore_mem>>) src(%dma_wait3A_83 : memref<10240x128xbf16, #tpu.memory_space<hbm>>) dst(%arg14 : memref<64x128xbf16, #tpu.memory_space<vmem>>)
          "tpu.region"() ({
            %run_scoped3A = tpu.sem_alloc : memref<!tpu.dma_semaphore, #tpu.memory_space<semaphore_mem>>
            %dma_start3A_107 = arith.constant 0 : i32
            %dma_start3A_108 = tpu.memref_slice %arg13[%add3A_78, %dma_start3A_107] : memref<32x64xi32, #tpu.memory_space<vmem>> -> memref<1x64xi32, #tpu.memory_space<vmem>>
            %dma_start3A_109 = tpu.memref_squeeze %dma_start3A_108 : memref<1x64xi32, #tpu.memory_space<vmem>> -> memref<64xi32, #tpu.memory_space<vmem>>
            %dma_start3A_110 = arith.constant 0 : i32
            %dma_start3A_111 = arith.constant 0 : i32
            %dma_start3A_112 = tpu.memref_slice %arg21[%dma_start3A_110, %dma_start3A_111] : memref<10240x128xbf16, #tpu.memory_space<vmem_shared>> -> memref<10240x128xbf16, #tpu.memory_space<vmem_shared>>
            tpu.enqueue_indirect_dma source(%arg14 : memref<64x128xbf16, #tpu.memory_space<vmem>>) target(%dma_start3A_112 : memref<10240x128xbf16, #tpu.memory_space<vmem_shared>>) offsets(%dma_start3A_109 : memref<64xi32, #tpu.memory_space<vmem>>) semaphore(%run_scoped3A : memref<!tpu.dma_semaphore, #tpu.memory_space<semaphore_mem>>) {add = true}
            %dma_wait3A_113 = arith.constant 0 : i32
            %dma_wait3A_114 = tpu.memref_slice %arg13[%add3A_78, %dma_wait3A_113] : memref<32x64xi32, #tpu.memory_space<vmem>> -> memref<1x64xi32, #tpu.memory_space<vmem>>
            %dma_wait3A_115 = tpu.memref_squeeze %dma_wait3A_114 : memref<1x64xi32, #tpu.memory_space<vmem>> -> memref<64xi32, #tpu.memory_space<vmem>>
            %dma_wait3A_116 = arith.constant 0 : i32
            %dma_wait3A_117 = arith.constant 0 : i32
            %dma_wait3A_118 = tpu.memref_slice %arg21[%dma_wait3A_116, %dma_wait3A_117] : memref<10240x128xbf16, #tpu.memory_space<vmem_shared>> -> memref<10240x128xbf16, #tpu.memory_space<vmem_shared>>
            tpu.wait_indirect_dma semaphore(%run_scoped3A : memref<!tpu.dma_semaphore, #tpu.memory_space<semaphore_mem>>) src(%arg14 : memref<64x128xbf16, #tpu.memory_space<vmem>>) dst(%dma_wait3A_118 : memref<10240x128xbf16, #tpu.memory_space<vmem_shared>>)
            tpu.yield
          }) : () -> ()
          "tpu.region"() ({
            %run_scoped3A = tpu.sem_alloc : memref<!tpu.dma_semaphore, #tpu.memory_space<semaphore_mem>>
            %dma_start3A_107 = arith.constant 0 : i32
            %dma_start3A_108 = tpu.memref_slice %arg13[%add3A_78, %dma_start3A_107] : memref<32x64xi32, #tpu.memory_space<vmem>> -> memref<1x64xi32, #tpu.memory_space<vmem>>
            %dma_start3A_109 = tpu.memref_squeeze %dma_start3A_108 : memref<1x64xi32, #tpu.memory_space<vmem>> -> memref<64xi32, #tpu.memory_space<vmem>>
            %dma_start3A_110 = arith.constant 0 : i32
            %dma_start3A_111 = arith.constant 0 : i32
            %dma_start3A_112 = tpu.memref_slice %arg23[%dma_start3A_110, %dma_start3A_111] : memref<10240x16xf32, #tpu.memory_space<vmem_shared>> -> memref<10240x16xf32, #tpu.memory_space<vmem_shared>>
            tpu.enqueue_indirect_dma source(%arg16 : memref<64x16xf32, #tpu.memory_space<vmem>>) target(%dma_start3A_112 : memref<10240x16xf32, #tpu.memory_space<vmem_shared>>) offsets(%dma_start3A_109 : memref<64xi32, #tpu.memory_space<vmem>>) semaphore(%run_scoped3A : memref<!tpu.dma_semaphore, #tpu.memory_space<semaphore_mem>>) {add = true}
            %dma_wait3A_113 = arith.constant 0 : i32
            %dma_wait3A_114 = tpu.memref_slice %arg13[%add3A_78, %dma_wait3A_113] : memref<32x64xi32, #tpu.memory_space<vmem>> -> memref<1x64xi32, #tpu.memory_space<vmem>>
            %dma_wait3A_115 = tpu.memref_squeeze %dma_wait3A_114 : memref<1x64xi32, #tpu.memory_space<vmem>> -> memref<64xi32, #tpu.memory_space<vmem>>
            %dma_wait3A_116 = arith.constant 0 : i32
            %dma_wait3A_117 = arith.constant 0 : i32
            %dma_wait3A_118 = tpu.memref_slice %arg23[%dma_wait3A_116, %dma_wait3A_117] : memref<10240x16xf32, #tpu.memory_space<vmem_shared>> -> memref<10240x16xf32, #tpu.memory_space<vmem_shared>>
            tpu.wait_indirect_dma semaphore(%run_scoped3A : memref<!tpu.dma_semaphore, #tpu.memory_space<semaphore_mem>>) src(%arg16 : memref<64x16xf32, #tpu.memory_space<vmem>>) dst(%dma_wait3A_118 : memref<10240x16xf32, #tpu.memory_space<vmem_shared>>)
            tpu.yield
          }) : () -> ()
          %add3A_84 = arith.constant 2 : i32
          %add3A_85 = arith.addi %add3A_78, %add3A_84 : i32
          %lt3A = arith.constant 32 : i32
          %lt3A_86 = arith.cmpi slt, %add3A_85, %lt3A : i32
          %convert_element_type3A_87 = arith.extui %lt3A_86 : i1 to i32
          %cond3A_88 = arith.constant 0 : i32
          %cond3A_89 = arith.cmpi ne, %convert_element_type3A_87, %cond3A_88 : i32
          scf.if %cond3A_89 {
            %add3A_107 = arith.constant 2 : i32
            %add3A_108 = arith.addi %add3A_78, %add3A_107 : i32
            %dma_start3A_109 = arith.constant 0 : i32
            %dma_start3A_110 = tpu.memref_slice %arg12[%add3A_108, %dma_start3A_109] : memref<32x64xi32, #tpu.memory_space<vmem>> -> memref<1x64xi32, #tpu.memory_space<vmem>>
            %dma_start3A_111 = tpu.memref_squeeze %dma_start3A_110 : memref<1x64xi32, #tpu.memory_space<vmem>> -> memref<64xi32, #tpu.memory_space<vmem>>
            %dma_start3A_112 = arith.constant 0 : i32
            %dma_start3A_113 = arith.constant 0 : i32
            %dma_start3A_114 = tpu.memref_slice %arg3[%dma_start3A_112, %dma_start3A_113] : memref<10240x128xbf16, #tpu.memory_space<hbm>> -> memref<10240x128xbf16, #tpu.memory_space<hbm>>
            tpu.enqueue_indirect_dma source(%dma_start3A_114 : memref<10240x128xbf16, #tpu.memory_space<hbm>>) target(%arg14 : memref<64x128xbf16, #tpu.memory_space<vmem>>) offsets(%dma_start3A_111 : memref<64xi32, #tpu.memory_space<vmem>>) semaphore(%arg25 : memref<!tpu.dma_semaphore, #tpu.memory_space<semaphore_mem>>)
          } else {
          }
          %mul3A_90 = arith.constant 2 : i32
          %mul3A_91 = arith.muli %mul3A_90, %scan3A_74 : i32
          %add3A_92 = arith.constant 1 : i32
          %add3A_93 = arith.addi %mul3A_91, %add3A_92 : i32
          %dma_wait3A_94 = arith.constant 0 : i32
          %dma_wait3A_95 = tpu.memref_slice %arg12[%add3A_93, %dma_wait3A_94] : memref<32x64xi32, #tpu.memory_space<vmem>> -> memref<1x64xi32, #tpu.memory_space<vmem>>
          %dma_wait3A_96 = tpu.memref_squeeze %dma_wait3A_95 : memref<1x64xi32, #tpu.memory_space<vmem>> -> memref<64xi32, #tpu.memory_space<vmem>>
          %dma_wait3A_97 = arith.constant 0 : i32
          %dma_wait3A_98 = arith.constant 0 : i32
          %dma_wait3A_99 = tpu.memref_slice %arg3[%dma_wait3A_97, %dma_wait3A_98] : memref<10240x128xbf16, #tpu.memory_space<hbm>> -> memref<10240x128xbf16, #tpu.memory_space<hbm>>
          tpu.wait_indirect_dma semaphore(%arg26 : memref<!tpu.dma_semaphore, #tpu.memory_space<semaphore_mem>>) src(%dma_wait3A_99 : memref<10240x128xbf16, #tpu.memory_space<hbm>>) dst(%arg15 : memref<64x128xbf16, #tpu.memory_space<vmem>>)
          "tpu.region"() ({
            %run_scoped3A = tpu.sem_alloc : memref<!tpu.dma_semaphore, #tpu.memory_space<semaphore_mem>>
            %dma_start3A_107 = arith.constant 0 : i32
            %dma_start3A_108 = tpu.memref_slice %arg13[%add3A_93, %dma_start3A_107] : memref<32x64xi32, #tpu.memory_space<vmem>> -> memref<1x64xi32, #tpu.memory_space<vmem>>
            %dma_start3A_109 = tpu.memref_squeeze %dma_start3A_108 : memref<1x64xi32, #tpu.memory_space<vmem>> -> memref<64xi32, #tpu.memory_space<vmem>>
            %dma_start3A_110 = arith.constant 0 : i32
            %dma_start3A_111 = arith.constant 0 : i32
            %dma_start3A_112 = tpu.memref_slice %arg21[%dma_start3A_110, %dma_start3A_111] : memref<10240x128xbf16, #tpu.memory_space<vmem_shared>> -> memref<10240x128xbf16, #tpu.memory_space<vmem_shared>>
            tpu.enqueue_indirect_dma source(%arg15 : memref<64x128xbf16, #tpu.memory_space<vmem>>) target(%dma_start3A_112 : memref<10240x128xbf16, #tpu.memory_space<vmem_shared>>) offsets(%dma_start3A_109 : memref<64xi32, #tpu.memory_space<vmem>>) semaphore(%run_scoped3A : memref<!tpu.dma_semaphore, #tpu.memory_space<semaphore_mem>>) {add = true}
            %dma_wait3A_113 = arith.constant 0 : i32
            %dma_wait3A_114 = tpu.memref_slice %arg13[%add3A_93, %dma_wait3A_113] : memref<32x64xi32, #tpu.memory_space<vmem>> -> memref<1x64xi32, #tpu.memory_space<vmem>>
            %dma_wait3A_115 = tpu.memref_squeeze %dma_wait3A_114 : memref<1x64xi32, #tpu.memory_space<vmem>> -> memref<64xi32, #tpu.memory_space<vmem>>
            %dma_wait3A_116 = arith.constant 0 : i32
            %dma_wait3A_117 = arith.constant 0 : i32
            %dma_wait3A_118 = tpu.memref_slice %arg21[%dma_wait3A_116, %dma_wait3A_117] : memref<10240x128xbf16, #tpu.memory_space<vmem_shared>> -> memref<10240x128xbf16, #tpu.memory_space<vmem_shared>>
            tpu.wait_indirect_dma semaphore(%run_scoped3A : memref<!tpu.dma_semaphore, #tpu.memory_space<semaphore_mem>>) src(%arg15 : memref<64x128xbf16, #tpu.memory_space<vmem>>) dst(%dma_wait3A_118 : memref<10240x128xbf16, #tpu.memory_space<vmem_shared>>)
            tpu.yield
          }) : () -> ()
          "tpu.region"() ({
            %run_scoped3A = tpu.sem_alloc : memref<!tpu.dma_semaphore, #tpu.memory_space<semaphore_mem>>
            %dma_start3A_107 = arith.constant 0 : i32
            %dma_start3A_108 = tpu.memref_slice %arg13[%add3A_93, %dma_start3A_107] : memref<32x64xi32, #tpu.memory_space<vmem>> -> memref<1x64xi32, #tpu.memory_space<vmem>>
            %dma_start3A_109 = tpu.memref_squeeze %dma_start3A_108 : memref<1x64xi32, #tpu.memory_space<vmem>> -> memref<64xi32, #tpu.memory_space<vmem>>
            %dma_start3A_110 = arith.constant 0 : i32
            %dma_start3A_111 = arith.constant 0 : i32
            %dma_start3A_112 = tpu.memref_slice %arg23[%dma_start3A_110, %dma_start3A_111] : memref<10240x16xf32, #tpu.memory_space<vmem_shared>> -> memref<10240x16xf32, #tpu.memory_space<vmem_shared>>
            tpu.enqueue_indirect_dma source(%arg16 : memref<64x16xf32, #tpu.memory_space<vmem>>) target(%dma_start3A_112 : memref<10240x16xf32, #tpu.memory_space<vmem_shared>>) offsets(%dma_start3A_109 : memref<64xi32, #tpu.memory_space<vmem>>) semaphore(%run_scoped3A : memref<!tpu.dma_semaphore, #tpu.memory_space<semaphore_mem>>) {add = true}
            %dma_wait3A_113 = arith.constant 0 : i32
            %dma_wait3A_114 = tpu.memref_slice %arg13[%add3A_93, %dma_wait3A_113] : memref<32x64xi32, #tpu.memory_space<vmem>> -> memref<1x64xi32, #tpu.memory_space<vmem>>
            %dma_wait3A_115 = tpu.memref_squeeze %dma_wait3A_114 : memref<1x64xi32, #tpu.memory_space<vmem>> -> memref<64xi32, #tpu.memory_space<vmem>>
            %dma_wait3A_116 = arith.constant 0 : i32
            %dma_wait3A_117 = arith.constant 0 : i32
            %dma_wait3A_118 = tpu.memref_slice %arg23[%dma_wait3A_116, %dma_wait3A_117] : memref<10240x16xf32, #tpu.memory_space<vmem_shared>> -> memref<10240x16xf32, #tpu.memory_space<vmem_shared>>
            tpu.wait_indirect_dma semaphore(%run_scoped3A : memref<!tpu.dma_semaphore, #tpu.memory_space<semaphore_mem>>) src(%arg16 : memref<64x16xf32, #tpu.memory_space<vmem>>) dst(%dma_wait3A_118 : memref<10240x16xf32, #tpu.memory_space<vmem_shared>>)
            tpu.yield
          }) : () -> ()
          %add3A_100 = arith.constant 2 : i32
          %add3A_101 = arith.addi %add3A_93, %add3A_100 : i32
          %lt3A_102 = arith.constant 32 : i32
          %lt3A_103 = arith.cmpi slt, %add3A_101, %lt3A_102 : i32
          %convert_element_type3A_104 = arith.extui %lt3A_103 : i1 to i32
          %cond3A_105 = arith.constant 0 : i32
          %cond3A_106 = arith.cmpi ne, %convert_element_type3A_104, %cond3A_105 : i32
          scf.if %cond3A_106 {
            %add3A_107 = arith.constant 2 : i32
            %add3A_108 = arith.addi %add3A_93, %add3A_107 : i32
            %dma_start3A_109 = arith.constant 0 : i32
            %dma_start3A_110 = tpu.memref_slice %arg12[%add3A_108, %dma_start3A_109] : memref<32x64xi32, #tpu.memory_space<vmem>> -> memref<1x64xi32, #tpu.memory_space<vmem>>
            %dma_start3A_111 = tpu.memref_squeeze %dma_start3A_110 : memref<1x64xi32, #tpu.memory_space<vmem>> -> memref<64xi32, #tpu.memory_space<vmem>>
            %dma_start3A_112 = arith.constant 0 : i32
            %dma_start3A_113 = arith.constant 0 : i32
            %dma_start3A_114 = tpu.memref_slice %arg3[%dma_start3A_112, %dma_start3A_113] : memref<10240x128xbf16, #tpu.memory_space<hbm>> -> memref<10240x128xbf16, #tpu.memory_space<hbm>>
            tpu.enqueue_indirect_dma source(%dma_start3A_114 : memref<10240x128xbf16, #tpu.memory_space<hbm>>) target(%arg15 : memref<64x128xbf16, #tpu.memory_space<vmem>>) offsets(%dma_start3A_111 : memref<64xi32, #tpu.memory_space<vmem>>) semaphore(%arg26 : memref<!tpu.dma_semaphore, #tpu.memory_space<semaphore_mem>>)
          } else {
          }
        }
        %scan3A_73 = arith.constant 16 : i32
      }
      %scan3A_49 = arith.constant 5 : i32
    } else {
    }
    %barrier3A_19 = arith.constant 0 : index
    tpu.barrier barrier_id(%barrier3A_19)
    %scan3A_20 = arith.constant 0 : i32
    %scan3A_21 = arith.constant 0 : i32
    %scan3A_22 = arith.constant 5 : i32
    %scan3A_23 = arith.addi %scan3A_21, %scan3A_22 : i32
    %scan3A_24 = arith.constant 1 : i32
    scf.for %scan3A_44 = %scan3A_21 to %scan3A_23 step %scan3A_24  : i32 {
      %mul3A_45 = arith.constant 128 : i32
      %mul3A_46 = arith.muli %scan3A_44, %mul3A_45 : i32
      %add3A = arith.addi %mul3A_0, %mul3A_46 : i32
      "tpu.region"() ({
        %run_scoped3A = tpu.sem_alloc : memref<!tpu.dma_semaphore, #tpu.memory_space<semaphore_mem>>
        %dma_start3A = arith.constant 0 : i32
        %dma_start3A_53 = tpu.memref_slice %arg21[%add3A, %dma_start3A] : memref<10240x128xbf16, #tpu.memory_space<vmem_shared>> -> memref<128x128xbf16, #tpu.memory_space<vmem_shared>>
        %dma_start3A_54 = arith.constant 0 : i32
        %dma_start3A_55 = tpu.memref_slice %arg21[%add3A, %dma_start3A_54] : memref<10240x128xbf16, #tpu.memory_space<vmem_shared>> -> memref<128x128xbf16, #tpu.memory_space<vmem_shared>>
        tpu.enqueue_dma source(%dma_start3A_55 : memref<128x128xbf16, #tpu.memory_space<vmem_shared>>) target(%arg19 : memref<128x128xbf16, #tpu.memory_space<vmem>>) target_semaphore(%run_scoped3A : memref<!tpu.dma_semaphore, #tpu.memory_space<semaphore_mem>>)
        %dma_wait3A = arith.constant 0 : i32
        %dma_wait3A_56 = tpu.memref_slice %arg21[%add3A, %dma_wait3A] : memref<10240x128xbf16, #tpu.memory_space<vmem_shared>> -> memref<128x128xbf16, #tpu.memory_space<vmem_shared>>
        %dma_wait3A_57 = arith.constant 0 : i32
        %dma_wait3A_58 = tpu.memref_slice %arg21[%add3A, %dma_wait3A_57] : memref<10240x128xbf16, #tpu.memory_space<vmem_shared>> -> memref<128x128xbf16, #tpu.memory_space<vmem_shared>>
        tpu.wait_dma2 semaphore(%run_scoped3A : memref<!tpu.dma_semaphore, #tpu.memory_space<semaphore_mem>>) src(%dma_wait3A_58 : memref<128x128xbf16, #tpu.memory_space<vmem_shared>>) dst(%arg19 : memref<128x128xbf16, #tpu.memory_space<vmem>>)
        tpu.yield
      }) : () -> ()
      "tpu.region"() ({
        %run_scoped3A = tpu.sem_alloc : memref<!tpu.dma_semaphore, #tpu.memory_space<semaphore_mem>>
        %dma_start3A = arith.constant 0 : i32
        %dma_start3A_53 = tpu.memref_slice %arg23[%add3A, %dma_start3A] : memref<10240x16xf32, #tpu.memory_space<vmem_shared>> -> memref<128x16xf32, #tpu.memory_space<vmem_shared>>
        %dma_start3A_54 = arith.constant 0 : i32
        %dma_start3A_55 = tpu.memref_slice %arg23[%add3A, %dma_start3A_54] : memref<10240x16xf32, #tpu.memory_space<vmem_shared>> -> memref<128x16xf32, #tpu.memory_space<vmem_shared>>
        tpu.enqueue_dma source(%dma_start3A_55 : memref<128x16xf32, #tpu.memory_space<vmem_shared>>) target(%arg20 : memref<128x16xf32, #tpu.memory_space<vmem>>) target_semaphore(%run_scoped3A : memref<!tpu.dma_semaphore, #tpu.memory_space<semaphore_mem>>)
        %dma_wait3A = arith.constant 0 : i32
        %dma_wait3A_56 = tpu.memref_slice %arg23[%add3A, %dma_wait3A] : memref<10240x16xf32, #tpu.memory_space<vmem_shared>> -> memref<128x16xf32, #tpu.memory_space<vmem_shared>>
        %dma_wait3A_57 = arith.constant 0 : i32
        %dma_wait3A_58 = tpu.memref_slice %arg23[%add3A, %dma_wait3A_57] : memref<10240x16xf32, #tpu.memory_space<vmem_shared>> -> memref<128x16xf32, #tpu.memory_space<vmem_shared>>
        tpu.wait_dma2 semaphore(%run_scoped3A : memref<!tpu.dma_semaphore, #tpu.memory_space<semaphore_mem>>) src(%dma_wait3A_58 : memref<128x16xf32, #tpu.memory_space<vmem_shared>>) dst(%arg20 : memref<128x16xf32, #tpu.memory_space<vmem>>)
        tpu.yield
      }) : () -> ()
      %scan3A_47 = arith.constant 0 : i32
      %scan3A_48 = arith.constant 0 : i32
      %scan3A_49 = arith.constant 128 : i32
      %scan3A_50 = arith.addi %scan3A_48, %scan3A_49 : i32
      %scan3A_51 = arith.constant 1 : i32
      scf.for %scan3A_53 = %scan3A_48 to %scan3A_50 step %scan3A_51  : i32 {
        %get3A = arith.index_cast %scan3A_53 : i32 to index
        %get3A_54 = arith.constant 0 : index
        %get3A_55 = tpu.vector_load %arg20[%get3A, %get3A_54] {strides = array<i32>} : memref<128x16xf32, #tpu.memory_space<vmem>>, vector<16xf32>,
        %eq3A_56 = arith.constant 0.000000e+00 : f32
        %eq3A_57 = vector.broadcast %eq3A_56 : f32 to vector<16xf32>
        %eq3A_58 = arith.cmpf oeq, %get3A_55, %eq3A_57 : vector<16xf32>
        %div3A = arith.constant 1.000000e+00 : f32
        %div3A_59 = vector.broadcast %div3A : f32 to vector<16xf32>
        %div3A_60 = arith.divf %div3A_59, %get3A_55 : vector<16xf32>
        %jit3A = arith.constant 0.000000e+00 : f32
        %broadcast_in_dim3A = vector.broadcast %jit3A : f32 to vector<16xf32>
        %select_n3A = arith.select %eq3A_58, %broadcast_in_dim3A, %div3A_60 : vector<16xi1>, vector<16xf32>
        %reduce_max3A = arith.constant true
        %reduce_max3A_61 = vector.broadcast %reduce_max3A : i1 to vector<16xi1>
        %reduce_max3A_62 = tpu.scan <max>, %select_n3A masked %reduce_max3A_61 : vector<16xf32>, vector<16xi1> -> vector<16xf32>
        %reduce_max3A_63 = vector.extract %reduce_max3A_62[15] : f32 from vector<16xf32>
        %broadcast_in_dim3A_64 = vector.broadcast %reduce_max3A_63 : f32 to vector<16xf32>
        %pack3A = tpu.pack_subelements %broadcast_in_dim3A_64, %broadcast_in_dim3A_64 {pack_format = #tpu.pack_format<interleaved>, positions = array<i32: 0, 1>} : vector<16xf32>, vector<16xf32> -> vector<32xbf16>
        %get3A_65 = arith.index_cast %scan3A_53 : i32 to index
        %get3A_66 = arith.constant 0 : index
        %get3A_67 = tpu.vector_load %arg19[%get3A_65, %get3A_66] {strides = array<i32>} : memref<128x128xbf16, #tpu.memory_space<vmem>>, vector<32xbf16>,
        %mul3A_68 = arith.mulf %get3A_67, %pack3A : vector<32xbf16>
        %swap3A = arith.index_cast %scan3A_53 : i32 to index
        %swap3A_69 = arith.constant 0 : index
        %swap3A_70 = tpu.vector_load %arg19[%swap3A, %swap3A_69] {strides = array<i32>} : memref<128x128xbf16, #tpu.memory_space<vmem>>, vector<32xbf16>,
        tpu.vector_store %arg19[%swap3A, %swap3A_69], %mul3A_68 {strides = array<i32>} : memref<128x128xbf16, #tpu.memory_space<vmem>>, vector<32xbf16>,
        %get3A_71 = arith.index_cast %scan3A_53 : i32 to index
        %get3A_72 = arith.constant 32 : index
        %get3A_73 = tpu.vector_load %arg19[%get3A_71, %get3A_72] {strides = array<i32>} : memref<128x128xbf16, #tpu.memory_space<vmem>>, vector<32xbf16>,
        %mul3A_74 = arith.mulf %get3A_73, %pack3A : vector<32xbf16>
        %swap3A_75 = arith.index_cast %scan3A_53 : i32 to index
        %swap3A_76 = arith.constant 32 : index
        %swap3A_77 = tpu.vector_load %arg19[%swap3A_75, %swap3A_76] {strides = array<i32>} : memref<128x128xbf16, #tpu.memory_space<vmem>>, vector<32xbf16>,
        tpu.vector_store %arg19[%swap3A_75, %swap3A_76], %mul3A_74 {strides = array<i32>} : memref<128x128xbf16, #tpu.memory_space<vmem>>, vector<32xbf16>,
        %get3A_78 = arith.index_cast %scan3A_53 : i32 to index
        %get3A_79 = arith.constant 64 : index
        %get3A_80 = tpu.vector_load %arg19[%get3A_78, %get3A_79] {strides = array<i32>} : memref<128x128xbf16, #tpu.memory_space<vmem>>, vector<32xbf16>,
        %mul3A_81 = arith.mulf %get3A_80, %pack3A : vector<32xbf16>
        %swap3A_82 = arith.index_cast %scan3A_53 : i32 to index
        %swap3A_83 = arith.constant 64 : index
        %swap3A_84 = tpu.vector_load %arg19[%swap3A_82, %swap3A_83] {strides = array<i32>} : memref<128x128xbf16, #tpu.memory_space<vmem>>, vector<32xbf16>,
        tpu.vector_store %arg19[%swap3A_82, %swap3A_83], %mul3A_81 {strides = array<i32>} : memref<128x128xbf16, #tpu.memory_space<vmem>>, vector<32xbf16>,
        %get3A_85 = arith.index_cast %scan3A_53 : i32 to index
        %get3A_86 = arith.constant 96 : index
        %get3A_87 = tpu.vector_load %arg19[%get3A_85, %get3A_86] {strides = array<i32>} : memref<128x128xbf16, #tpu.memory_space<vmem>>, vector<32xbf16>,
        %mul3A_88 = arith.mulf %get3A_87, %pack3A : vector<32xbf16>
        %swap3A_89 = arith.index_cast %scan3A_53 : i32 to index
        %swap3A_90 = arith.constant 96 : index
        %swap3A_91 = tpu.vector_load %arg19[%swap3A_89, %swap3A_90] {strides = array<i32>} : memref<128x128xbf16, #tpu.memory_space<vmem>>, vector<32xbf16>,
        tpu.vector_store %arg19[%swap3A_89, %swap3A_90], %mul3A_88 {strides = array<i32>} : memref<128x128xbf16, #tpu.memory_space<vmem>>, vector<32xbf16>,
      }
      %scan3A_52 = arith.constant 128 : i32
      "tpu.region"() ({
        %run_scoped3A = tpu.sem_alloc : memref<!tpu.dma_semaphore, #tpu.memory_space<semaphore_mem>>
        %dma_start3A = arith.constant 0 : i32
        %dma_start3A_53 = tpu.memref_slice %arg21[%add3A, %dma_start3A] : memref<10240x128xbf16, #tpu.memory_space<vmem_shared>> -> memref<128x128xbf16, #tpu.memory_space<vmem_shared>>
        %dma_start3A_54 = arith.constant 0 : i32
        %dma_start3A_55 = tpu.memref_slice %arg21[%add3A, %dma_start3A_54] : memref<10240x128xbf16, #tpu.memory_space<vmem_shared>> -> memref<128x128xbf16, #tpu.memory_space<vmem_shared>>
        tpu.enqueue_dma source(%arg19 : memref<128x128xbf16, #tpu.memory_space<vmem>>) target(%dma_start3A_55 : memref<128x128xbf16, #tpu.memory_space<vmem_shared>>) target_semaphore(%run_scoped3A : memref<!tpu.dma_semaphore, #tpu.memory_space<semaphore_mem>>)
        %dma_wait3A = arith.constant 0 : i32
        %dma_wait3A_56 = tpu.memref_slice %arg21[%add3A, %dma_wait3A] : memref<10240x128xbf16, #tpu.memory_space<vmem_shared>> -> memref<128x128xbf16, #tpu.memory_space<vmem_shared>>
        %dma_wait3A_57 = arith.constant 0 : i32
        %dma_wait3A_58 = tpu.memref_slice %arg21[%add3A, %dma_wait3A_57] : memref<10240x128xbf16, #tpu.memory_space<vmem_shared>> -> memref<128x128xbf16, #tpu.memory_space<vmem_shared>>
        tpu.wait_dma2 semaphore(%run_scoped3A : memref<!tpu.dma_semaphore, #tpu.memory_space<semaphore_mem>>) src(%arg19 : memref<128x128xbf16, #tpu.memory_space<vmem>>) dst(%dma_wait3A_58 : memref<128x128xbf16, #tpu.memory_space<vmem_shared>>)
        tpu.yield
      }) : () -> ()
    }
    %scan3A_25 = arith.constant 5 : i32
    %barrier3A_26 = arith.constant 0 : index
    tpu.barrier barrier_id(%barrier3A_26)
    %scan3A_27 = arith.constant 0 : i32
    %scan3A_28 = arith.constant 0 : i32
    %scan3A_29 = arith.constant 5 : i32
    %scan3A_30 = arith.addi %scan3A_28, %scan3A_29 : i32
    %scan3A_31 = arith.constant 1 : i32
    scf.for %scan3A_44 = %scan3A_28 to %scan3A_30 step %scan3A_31  : i32 {
      %mul3A_45 = arith.constant 160 : i32
      %mul3A_46 = arith.muli %arg1, %mul3A_45 : i32
      %mul3A_47 = arith.constant 32 : i32
      %mul3A_48 = arith.muli %scan3A_44, %mul3A_47 : i32
      %add3A = arith.addi %mul3A_46, %mul3A_48 : i32
      "tpu.region"() ({
        %run_scoped3A = tpu.sem_alloc : memref<!tpu.dma_semaphore, #tpu.memory_space<semaphore_mem>>
        %dma_start3A_68 = arith.constant 0 : i32
        %dma_start3A_69 = tpu.memref_slice %arg5[%add3A, %dma_start3A_68] : memref<2560x64xi32, #tpu.memory_space<hbm>> -> memref<32x64xi32, #tpu.memory_space<hbm>>
        %dma_start3A_70 = arith.constant 0 : i32
        %dma_start3A_71 = tpu.memref_slice %arg5[%add3A, %dma_start3A_70] : memref<2560x64xi32, #tpu.memory_space<hbm>> -> memref<32x64xi32, #tpu.memory_space<hbm>>
        tpu.enqueue_dma source(%dma_start3A_71 : memref<32x64xi32, #tpu.memory_space<hbm>>) target(%arg12 : memref<32x64xi32, #tpu.memory_space<vmem>>) target_semaphore(%run_scoped3A : memref<!tpu.dma_semaphore, #tpu.memory_space<semaphore_mem>>)
        %dma_wait3A = arith.constant 0 : i32
        %dma_wait3A_72 = tpu.memref_slice %arg5[%add3A, %dma_wait3A] : memref<2560x64xi32, #tpu.memory_space<hbm>> -> memref<32x64xi32, #tpu.memory_space<hbm>>
        %dma_wait3A_73 = arith.constant 0 : i32
        %dma_wait3A_74 = tpu.memref_slice %arg5[%add3A, %dma_wait3A_73] : memref<2560x64xi32, #tpu.memory_space<hbm>> -> memref<32x64xi32, #tpu.memory_space<hbm>>
        tpu.wait_dma2 semaphore(%run_scoped3A : memref<!tpu.dma_semaphore, #tpu.memory_space<semaphore_mem>>) src(%dma_wait3A_74 : memref<32x64xi32, #tpu.memory_space<hbm>>) dst(%arg12 : memref<32x64xi32, #tpu.memory_space<vmem>>)
        tpu.yield
      }) : () -> ()
      "tpu.region"() ({
        %run_scoped3A = tpu.sem_alloc : memref<!tpu.dma_semaphore, #tpu.memory_space<semaphore_mem>>
        %dma_start3A_68 = arith.constant 0 : i32
        %dma_start3A_69 = tpu.memref_slice %arg4[%add3A, %dma_start3A_68] : memref<2560x64xi32, #tpu.memory_space<hbm>> -> memref<32x64xi32, #tpu.memory_space<hbm>>
        %dma_start3A_70 = arith.constant 0 : i32
        %dma_start3A_71 = tpu.memref_slice %arg4[%add3A, %dma_start3A_70] : memref<2560x64xi32, #tpu.memory_space<hbm>> -> memref<32x64xi32, #tpu.memory_space<hbm>>
        tpu.enqueue_dma source(%dma_start3A_71 : memref<32x64xi32, #tpu.memory_space<hbm>>) target(%arg13 : memref<32x64xi32, #tpu.memory_space<vmem>>) target_semaphore(%run_scoped3A : memref<!tpu.dma_semaphore, #tpu.memory_space<semaphore_mem>>)
        %dma_wait3A = arith.constant 0 : i32
        %dma_wait3A_72 = tpu.memref_slice %arg4[%add3A, %dma_wait3A] : memref<2560x64xi32, #tpu.memory_space<hbm>> -> memref<32x64xi32, #tpu.memory_space<hbm>>
        %dma_wait3A_73 = arith.constant 0 : i32
        %dma_wait3A_74 = tpu.memref_slice %arg4[%add3A, %dma_wait3A_73] : memref<2560x64xi32, #tpu.memory_space<hbm>> -> memref<32x64xi32, #tpu.memory_space<hbm>>
        tpu.wait_dma2 semaphore(%run_scoped3A : memref<!tpu.dma_semaphore, #tpu.memory_space<semaphore_mem>>) src(%dma_wait3A_74 : memref<32x64xi32, #tpu.memory_space<hbm>>) dst(%arg13 : memref<32x64xi32, #tpu.memory_space<vmem>>)
        tpu.yield
      }) : () -> ()
      %dma_start3A = arith.constant 0 : i32
      %dma_start3A_49 = arith.constant 0 : i32
      %dma_start3A_50 = tpu.memref_slice %arg12[%dma_start3A, %dma_start3A_49] : memref<32x64xi32, #tpu.memory_space<vmem>> -> memref<1x64xi32, #tpu.memory_space<vmem>>
      %dma_start3A_51 = tpu.memref_squeeze %dma_start3A_50 : memref<1x64xi32, #tpu.memory_space<vmem>> -> memref<64xi32, #tpu.memory_space<vmem>>
      %dma_start3A_52 = arith.constant 0 : i32
      %dma_start3A_53 = arith.constant 0 : i32
      %dma_start3A_54 = tpu.memref_slice %arg21[%dma_start3A_52, %dma_start3A_53] : memref<10240x128xbf16, #tpu.memory_space<vmem_shared>> -> memref<10240x128xbf16, #tpu.memory_space<vmem_shared>>
      tpu.enqueue_indirect_dma source(%dma_start3A_54 : memref<10240x128xbf16, #tpu.memory_space<vmem_shared>>) target(%arg14 : memref<64x128xbf16, #tpu.memory_space<vmem>>) offsets(%dma_start3A_51 : memref<64xi32, #tpu.memory_space<vmem>>) semaphore(%arg25 : memref<!tpu.dma_semaphore, #tpu.memory_space<semaphore_mem>>)
      %dma_start3A_55 = arith.constant 1 : i32
      %dma_start3A_56 = arith.constant 0 : i32
      %dma_start3A_57 = tpu.memref_slice %arg12[%dma_start3A_55, %dma_start3A_56] : memref<32x64xi32, #tpu.memory_space<vmem>> -> memref<1x64xi32, #tpu.memory_space<vmem>>
      %dma_start3A_58 = tpu.memref_squeeze %dma_start3A_57 : memref<1x64xi32, #tpu.memory_space<vmem>> -> memref<64xi32, #tpu.memory_space<vmem>>
      %dma_start3A_59 = arith.constant 0 : i32
      %dma_start3A_60 = arith.constant 0 : i32
      %dma_start3A_61 = tpu.memref_slice %arg21[%dma_start3A_59, %dma_start3A_60] : memref<10240x128xbf16, #tpu.memory_space<vmem_shared>> -> memref<10240x128xbf16, #tpu.memory_space<vmem_shared>>
      tpu.enqueue_indirect_dma source(%dma_start3A_61 : memref<10240x128xbf16, #tpu.memory_space<vmem_shared>>) target(%arg15 : memref<64x128xbf16, #tpu.memory_space<vmem>>) offsets(%dma_start3A_58 : memref<64xi32, #tpu.memory_space<vmem>>) semaphore(%arg26 : memref<!tpu.dma_semaphore, #tpu.memory_space<semaphore_mem>>)
      %scan3A_62 = arith.constant 0 : i32
      %scan3A_63 = arith.constant 0 : i32
      %scan3A_64 = arith.constant 16 : i32
      %scan3A_65 = arith.addi %scan3A_63, %scan3A_64 : i32
      %scan3A_66 = arith.constant 1 : i32
      scf.for %scan3A_68 = %scan3A_63 to %scan3A_65 step %scan3A_66  : i32 {
        %mul3A_69 = arith.constant 2 : i32
        %mul3A_70 = arith.muli %mul3A_69, %scan3A_68 : i32
        %add3A_71 = arith.constant 0 : i32
        %add3A_72 = arith.addi %mul3A_70, %add3A_71 : i32
        %dma_wait3A = arith.constant 0 : i32
        %dma_wait3A_73 = tpu.memref_slice %arg12[%add3A_72, %dma_wait3A] : memref<32x64xi32, #tpu.memory_space<vmem>> -> memref<1x64xi32, #tpu.memory_space<vmem>>
        %dma_wait3A_74 = tpu.memref_squeeze %dma_wait3A_73 : memref<1x64xi32, #tpu.memory_space<vmem>> -> memref<64xi32, #tpu.memory_space<vmem>>
        %dma_wait3A_75 = arith.constant 0 : i32
        %dma_wait3A_76 = arith.constant 0 : i32
        %dma_wait3A_77 = tpu.memref_slice %arg21[%dma_wait3A_75, %dma_wait3A_76] : memref<10240x128xbf16, #tpu.memory_space<vmem_shared>> -> memref<10240x128xbf16, #tpu.memory_space<vmem_shared>>
        tpu.wait_indirect_dma semaphore(%arg25 : memref<!tpu.dma_semaphore, #tpu.memory_space<semaphore_mem>>) src(%dma_wait3A_77 : memref<10240x128xbf16, #tpu.memory_space<vmem_shared>>) dst(%arg14 : memref<64x128xbf16, #tpu.memory_space<vmem>>)
        "tpu.region"() ({
          %run_scoped3A = tpu.sem_alloc : memref<!tpu.dma_semaphore, #tpu.memory_space<semaphore_mem>>
          %dma_start3A_101 = arith.constant 0 : i32
          %dma_start3A_102 = tpu.memref_slice %arg13[%add3A_72, %dma_start3A_101] : memref<32x64xi32, #tpu.memory_space<vmem>> -> memref<1x64xi32, #tpu.memory_space<vmem>>
          %dma_start3A_103 = tpu.memref_squeeze %dma_start3A_102 : memref<1x64xi32, #tpu.memory_space<vmem>> -> memref<64xi32, #tpu.memory_space<vmem>>
          %dma_start3A_104 = arith.constant 0 : i32
          %dma_start3A_105 = arith.constant 0 : i32
          %dma_start3A_106 = tpu.memref_slice %arg22[%dma_start3A_104, %dma_start3A_105] : memref<10240x128xbf16, #tpu.memory_space<vmem_shared>> -> memref<10240x128xbf16, #tpu.memory_space<vmem_shared>>
          tpu.enqueue_indirect_dma source(%arg14 : memref<64x128xbf16, #tpu.memory_space<vmem>>) target(%dma_start3A_106 : memref<10240x128xbf16, #tpu.memory_space<vmem_shared>>) offsets(%dma_start3A_103 : memref<64xi32, #tpu.memory_space<vmem>>) semaphore(%run_scoped3A : memref<!tpu.dma_semaphore, #tpu.memory_space<semaphore_mem>>) {add = true}
          %dma_wait3A_107 = arith.constant 0 : i32
          %dma_wait3A_108 = tpu.memref_slice %arg13[%add3A_72, %dma_wait3A_107] : memref<32x64xi32, #tpu.memory_space<vmem>> -> memref<1x64xi32, #tpu.memory_space<vmem>>
          %dma_wait3A_109 = tpu.memref_squeeze %dma_wait3A_108 : memref<1x64xi32, #tpu.memory_space<vmem>> -> memref<64xi32, #tpu.memory_space<vmem>>
          %dma_wait3A_110 = arith.constant 0 : i32
          %dma_wait3A_111 = arith.constant 0 : i32
          %dma_wait3A_112 = tpu.memref_slice %arg22[%dma_wait3A_110, %dma_wait3A_111] : memref<10240x128xbf16, #tpu.memory_space<vmem_shared>> -> memref<10240x128xbf16, #tpu.memory_space<vmem_shared>>
          tpu.wait_indirect_dma semaphore(%run_scoped3A : memref<!tpu.dma_semaphore, #tpu.memory_space<semaphore_mem>>) src(%arg14 : memref<64x128xbf16, #tpu.memory_space<vmem>>) dst(%dma_wait3A_112 : memref<10240x128xbf16, #tpu.memory_space<vmem_shared>>)
          tpu.yield
        }) : () -> ()
        "tpu.region"() ({
          %run_scoped3A = tpu.sem_alloc : memref<!tpu.dma_semaphore, #tpu.memory_space<semaphore_mem>>
          %dma_start3A_101 = arith.constant 0 : i32
          %dma_start3A_102 = tpu.memref_slice %arg13[%add3A_72, %dma_start3A_101] : memref<32x64xi32, #tpu.memory_space<vmem>> -> memref<1x64xi32, #tpu.memory_space<vmem>>
          %dma_start3A_103 = tpu.memref_squeeze %dma_start3A_102 : memref<1x64xi32, #tpu.memory_space<vmem>> -> memref<64xi32, #tpu.memory_space<vmem>>
          %dma_start3A_104 = arith.constant 0 : i32
          %dma_start3A_105 = arith.constant 0 : i32
          %dma_start3A_106 = tpu.memref_slice %arg24[%dma_start3A_104, %dma_start3A_105] : memref<10240x16xf32, #tpu.memory_space<vmem_shared>> -> memref<10240x16xf32, #tpu.memory_space<vmem_shared>>
          tpu.enqueue_indirect_dma source(%arg16 : memref<64x16xf32, #tpu.memory_space<vmem>>) target(%dma_start3A_106 : memref<10240x16xf32, #tpu.memory_space<vmem_shared>>) offsets(%dma_start3A_103 : memref<64xi32, #tpu.memory_space<vmem>>) semaphore(%run_scoped3A : memref<!tpu.dma_semaphore, #tpu.memory_space<semaphore_mem>>) {add = true}
          %dma_wait3A_107 = arith.constant 0 : i32
          %dma_wait3A_108 = tpu.memref_slice %arg13[%add3A_72, %dma_wait3A_107] : memref<32x64xi32, #tpu.memory_space<vmem>> -> memref<1x64xi32, #tpu.memory_space<vmem>>
          %dma_wait3A_109 = tpu.memref_squeeze %dma_wait3A_108 : memref<1x64xi32, #tpu.memory_space<vmem>> -> memref<64xi32, #tpu.memory_space<vmem>>
          %dma_wait3A_110 = arith.constant 0 : i32
          %dma_wait3A_111 = arith.constant 0 : i32
          %dma_wait3A_112 = tpu.memref_slice %arg24[%dma_wait3A_110, %dma_wait3A_111] : memref<10240x16xf32, #tpu.memory_space<vmem_shared>> -> memref<10240x16xf32, #tpu.memory_space<vmem_shared>>
          tpu.wait_indirect_dma semaphore(%run_scoped3A : memref<!tpu.dma_semaphore, #tpu.memory_space<semaphore_mem>>) src(%arg16 : memref<64x16xf32, #tpu.memory_space<vmem>>) dst(%dma_wait3A_112 : memref<10240x16xf32, #tpu.memory_space<vmem_shared>>)
          tpu.yield
        }) : () -> ()
        %add3A_78 = arith.constant 2 : i32
        %add3A_79 = arith.addi %add3A_72, %add3A_78 : i32
        %lt3A = arith.constant 32 : i32
        %lt3A_80 = arith.cmpi slt, %add3A_79, %lt3A : i32
        %convert_element_type3A_81 = arith.extui %lt3A_80 : i1 to i32
        %cond3A_82 = arith.constant 0 : i32
        %cond3A_83 = arith.cmpi ne, %convert_element_type3A_81, %cond3A_82 : i32
        scf.if %cond3A_83 {
          %add3A_101 = arith.constant 2 : i32
          %add3A_102 = arith.addi %add3A_72, %add3A_101 : i32
          %dma_start3A_103 = arith.constant 0 : i32
          %dma_start3A_104 = tpu.memref_slice %arg12[%add3A_102, %dma_start3A_103] : memref<32x64xi32, #tpu.memory_space<vmem>> -> memref<1x64xi32, #tpu.memory_space<vmem>>
          %dma_start3A_105 = tpu.memref_squeeze %dma_start3A_104 : memref<1x64xi32, #tpu.memory_space<vmem>> -> memref<64xi32, #tpu.memory_space<vmem>>
          %dma_start3A_106 = arith.constant 0 : i32
          %dma_start3A_107 = arith.constant 0 : i32
          %dma_start3A_108 = tpu.memref_slice %arg21[%dma_start3A_106, %dma_start3A_107] : memref<10240x128xbf16, #tpu.memory_space<vmem_shared>> -> memref<10240x128xbf16, #tpu.memory_space<vmem_shared>>
          tpu.enqueue_indirect_dma source(%dma_start3A_108 : memref<10240x128xbf16, #tpu.memory_space<vmem_shared>>) target(%arg14 : memref<64x128xbf16, #tpu.memory_space<vmem>>) offsets(%dma_start3A_105 : memref<64xi32, #tpu.memory_space<vmem>>) semaphore(%arg25 : memref<!tpu.dma_semaphore, #tpu.memory_space<semaphore_mem>>)
        } else {
        }
        %mul3A_84 = arith.constant 2 : i32
        %mul3A_85 = arith.muli %mul3A_84, %scan3A_68 : i32
        %add3A_86 = arith.constant 1 : i32
        %add3A_87 = arith.addi %mul3A_85, %add3A_86 : i32
        %dma_wait3A_88 = arith.constant 0 : i32
        %dma_wait3A_89 = tpu.memref_slice %arg12[%add3A_87, %dma_wait3A_88] : memref<32x64xi32, #tpu.memory_space<vmem>> -> memref<1x64xi32, #tpu.memory_space<vmem>>
        %dma_wait3A_90 = tpu.memref_squeeze %dma_wait3A_89 : memref<1x64xi32, #tpu.memory_space<vmem>> -> memref<64xi32, #tpu.memory_space<vmem>>
        %dma_wait3A_91 = arith.constant 0 : i32
        %dma_wait3A_92 = arith.constant 0 : i32
        %dma_wait3A_93 = tpu.memref_slice %arg21[%dma_wait3A_91, %dma_wait3A_92] : memref<10240x128xbf16, #tpu.memory_space<vmem_shared>> -> memref<10240x128xbf16, #tpu.memory_space<vmem_shared>>
        tpu.wait_indirect_dma semaphore(%arg26 : memref<!tpu.dma_semaphore, #tpu.memory_space<semaphore_mem>>) src(%dma_wait3A_93 : memref<10240x128xbf16, #tpu.memory_space<vmem_shared>>) dst(%arg15 : memref<64x128xbf16, #tpu.memory_space<vmem>>)
        "tpu.region"() ({
          %run_scoped3A = tpu.sem_alloc : memref<!tpu.dma_semaphore, #tpu.memory_space<semaphore_mem>>
          %dma_start3A_101 = arith.constant 0 : i32
          %dma_start3A_102 = tpu.memref_slice %arg13[%add3A_87, %dma_start3A_101] : memref<32x64xi32, #tpu.memory_space<vmem>> -> memref<1x64xi32, #tpu.memory_space<vmem>>
          %dma_start3A_103 = tpu.memref_squeeze %dma_start3A_102 : memref<1x64xi32, #tpu.memory_space<vmem>> -> memref<64xi32, #tpu.memory_space<vmem>>
          %dma_start3A_104 = arith.constant 0 : i32
          %dma_start3A_105 = arith.constant 0 : i32
          %dma_start3A_106 = tpu.memref_slice %arg22[%dma_start3A_104, %dma_start3A_105] : memref<10240x128xbf16, #tpu.memory_space<vmem_shared>> -> memref<10240x128xbf16, #tpu.memory_space<vmem_shared>>
          tpu.enqueue_indirect_dma source(%arg15 : memref<64x128xbf16, #tpu.memory_space<vmem>>) target(%dma_start3A_106 : memref<10240x128xbf16, #tpu.memory_space<vmem_shared>>) offsets(%dma_start3A_103 : memref<64xi32, #tpu.memory_space<vmem>>) semaphore(%run_scoped3A : memref<!tpu.dma_semaphore, #tpu.memory_space<semaphore_mem>>) {add = true}
          %dma_wait3A_107 = arith.constant 0 : i32
          %dma_wait3A_108 = tpu.memref_slice %arg13[%add3A_87, %dma_wait3A_107] : memref<32x64xi32, #tpu.memory_space<vmem>> -> memref<1x64xi32, #tpu.memory_space<vmem>>
          %dma_wait3A_109 = tpu.memref_squeeze %dma_wait3A_108 : memref<1x64xi32, #tpu.memory_space<vmem>> -> memref<64xi32, #tpu.memory_space<vmem>>
          %dma_wait3A_110 = arith.constant 0 : i32
          %dma_wait3A_111 = arith.constant 0 : i32
          %dma_wait3A_112 = tpu.memref_slice %arg22[%dma_wait3A_110, %dma_wait3A_111] : memref<10240x128xbf16, #tpu.memory_space<vmem_shared>> -> memref<10240x128xbf16, #tpu.memory_space<vmem_shared>>
          tpu.wait_indirect_dma semaphore(%run_scoped3A : memref<!tpu.dma_semaphore, #tpu.memory_space<semaphore_mem>>) src(%arg15 : memref<64x128xbf16, #tpu.memory_space<vmem>>) dst(%dma_wait3A_112 : memref<10240x128xbf16, #tpu.memory_space<vmem_shared>>)
          tpu.yield
        }) : () -> ()
        "tpu.region"() ({
          %run_scoped3A = tpu.sem_alloc : memref<!tpu.dma_semaphore, #tpu.memory_space<semaphore_mem>>
          %dma_start3A_101 = arith.constant 0 : i32
          %dma_start3A_102 = tpu.memref_slice %arg13[%add3A_87, %dma_start3A_101] : memref<32x64xi32, #tpu.memory_space<vmem>> -> memref<1x64xi32, #tpu.memory_space<vmem>>
          %dma_start3A_103 = tpu.memref_squeeze %dma_start3A_102 : memref<1x64xi32, #tpu.memory_space<vmem>> -> memref<64xi32, #tpu.memory_space<vmem>>
          %dma_start3A_104 = arith.constant 0 : i32
          %dma_start3A_105 = arith.constant 0 : i32
          %dma_start3A_106 = tpu.memref_slice %arg24[%dma_start3A_104, %dma_start3A_105] : memref<10240x16xf32, #tpu.memory_space<vmem_shared>> -> memref<10240x16xf32, #tpu.memory_space<vmem_shared>>
          tpu.enqueue_indirect_dma source(%arg16 : memref<64x16xf32, #tpu.memory_space<vmem>>) target(%dma_start3A_106 : memref<10240x16xf32, #tpu.memory_space<vmem_shared>>) offsets(%dma_start3A_103 : memref<64xi32, #tpu.memory_space<vmem>>) semaphore(%run_scoped3A : memref<!tpu.dma_semaphore, #tpu.memory_space<semaphore_mem>>) {add = true}
          %dma_wait3A_107 = arith.constant 0 : i32
          %dma_wait3A_108 = tpu.memref_slice %arg13[%add3A_87, %dma_wait3A_107] : memref<32x64xi32, #tpu.memory_space<vmem>> -> memref<1x64xi32, #tpu.memory_space<vmem>>
          %dma_wait3A_109 = tpu.memref_squeeze %dma_wait3A_108 : memref<1x64xi32, #tpu.memory_space<vmem>> -> memref<64xi32, #tpu.memory_space<vmem>>
          %dma_wait3A_110 = arith.constant 0 : i32
          %dma_wait3A_111 = arith.constant 0 : i32
          %dma_wait3A_112 = tpu.memref_slice %arg24[%dma_wait3A_110, %dma_wait3A_111] : memref<10240x16xf32, #tpu.memory_space<vmem_shared>> -> memref<10240x16xf32, #tpu.memory_space<vmem_shared>>
          tpu.wait_indirect_dma semaphore(%run_scoped3A : memref<!tpu.dma_semaphore, #tpu.memory_space<semaphore_mem>>) src(%arg16 : memref<64x16xf32, #tpu.memory_space<vmem>>) dst(%dma_wait3A_112 : memref<10240x16xf32, #tpu.memory_space<vmem_shared>>)
          tpu.yield
        }) : () -> ()
        %add3A_94 = arith.constant 2 : i32
        %add3A_95 = arith.addi %add3A_87, %add3A_94 : i32
        %lt3A_96 = arith.constant 32 : i32
        %lt3A_97 = arith.cmpi slt, %add3A_95, %lt3A_96 : i32
        %convert_element_type3A_98 = arith.extui %lt3A_97 : i1 to i32
        %cond3A_99 = arith.constant 0 : i32
        %cond3A_100 = arith.cmpi ne, %convert_element_type3A_98, %cond3A_99 : i32
        scf.if %cond3A_100 {
          %add3A_101 = arith.constant 2 : i32
          %add3A_102 = arith.addi %add3A_87, %add3A_101 : i32
          %dma_start3A_103 = arith.constant 0 : i32
          %dma_start3A_104 = tpu.memref_slice %arg12[%add3A_102, %dma_start3A_103] : memref<32x64xi32, #tpu.memory_space<vmem>> -> memref<1x64xi32, #tpu.memory_space<vmem>>
          %dma_start3A_105 = tpu.memref_squeeze %dma_start3A_104 : memref<1x64xi32, #tpu.memory_space<vmem>> -> memref<64xi32, #tpu.memory_space<vmem>>
          %dma_start3A_106 = arith.constant 0 : i32
          %dma_start3A_107 = arith.constant 0 : i32
          %dma_start3A_108 = tpu.memref_slice %arg21[%dma_start3A_106, %dma_start3A_107] : memref<10240x128xbf16, #tpu.memory_space<vmem_shared>> -> memref<10240x128xbf16, #tpu.memory_space<vmem_shared>>
          tpu.enqueue_indirect_dma source(%dma_start3A_108 : memref<10240x128xbf16, #tpu.memory_space<vmem_shared>>) target(%arg15 : memref<64x128xbf16, #tpu.memory_space<vmem>>) offsets(%dma_start3A_105 : memref<64xi32, #tpu.memory_space<vmem>>) semaphore(%arg26 : memref<!tpu.dma_semaphore, #tpu.memory_space<semaphore_mem>>)
        } else {
        }
      }
      %scan3A_67 = arith.constant 16 : i32
    }
    %scan3A_32 = arith.constant 5 : i32
    %barrier3A_33 = arith.constant 0 : index
    tpu.barrier barrier_id(%barrier3A_33)
    %eq3A_34 = arith.constant 0 : i32
    %eq3A_35 = arith.cmpi eq, %arg0, %eq3A_34 : i32
    %convert_element_type3A_36 = arith.extui %eq3A_35 : i1 to i32
    %cond3A_37 = arith.constant 0 : i32
    %cond3A_38 = arith.cmpi ne, %convert_element_type3A_36, %cond3A_37 : i32
    scf.if %cond3A_38 {
      "tpu.region"() ({
        %run_scoped3A = tpu.sem_alloc : memref<!tpu.dma_semaphore, #tpu.memory_space<semaphore_mem>>
        %dma_start3A = arith.constant 0 : i32
        %dma_start3A_44 = tpu.memref_slice %arg9[%mul3A_0, %dma_start3A] : memref<10240x128xbf16, #tpu.memory_space<hbm>> -> memref<640x128xbf16, #tpu.memory_space<hbm>>
        %dma_start3A_45 = arith.constant 0 : i32
        %dma_start3A_46 = tpu.memref_slice %arg22[%mul3A_0, %dma_start3A_45] : memref<10240x128xbf16, #tpu.memory_space<vmem_shared>> -> memref<640x128xbf16, #tpu.memory_space<vmem_shared>>
        tpu.enqueue_dma source(%dma_start3A_46 : memref<640x128xbf16, #tpu.memory_space<vmem_shared>>) target(%dma_start3A_44 : memref<640x128xbf16, #tpu.memory_space<hbm>>) target_semaphore(%run_scoped3A : memref<!tpu.dma_semaphore, #tpu.memory_space<semaphore_mem>>)
        %dma_wait3A = arith.constant 0 : i32
        %dma_wait3A_47 = tpu.memref_slice %arg9[%mul3A_0, %dma_wait3A] : memref<10240x128xbf16, #tpu.memory_space<hbm>> -> memref<640x128xbf16, #tpu.memory_space<hbm>>
        %dma_wait3A_48 = arith.constant 0 : i32
        %dma_wait3A_49 = tpu.memref_slice %arg22[%mul3A_0, %dma_wait3A_48] : memref<10240x128xbf16, #tpu.memory_space<vmem_shared>> -> memref<640x128xbf16, #tpu.memory_space<vmem_shared>>
        tpu.wait_dma2 semaphore(%run_scoped3A : memref<!tpu.dma_semaphore, #tpu.memory_space<semaphore_mem>>) src(%dma_wait3A_49 : memref<640x128xbf16, #tpu.memory_space<vmem_shared>>) dst(%dma_wait3A_47 : memref<640x128xbf16, #tpu.memory_space<hbm>>)
        tpu.yield
      }) : () -> ()
      "tpu.region"() ({
        %run_scoped3A = tpu.sem_alloc : memref<!tpu.dma_semaphore, #tpu.memory_space<semaphore_mem>>
        %dma_start3A = arith.constant 0 : i32
        %dma_start3A_44 = tpu.memref_slice %arg11[%mul3A_0, %dma_start3A] : memref<10240x16xf32, #tpu.memory_space<hbm>> -> memref<640x16xf32, #tpu.memory_space<hbm>>
        %dma_start3A_45 = arith.constant 0 : i32
        %dma_start3A_46 = tpu.memref_slice %arg24[%mul3A_0, %dma_start3A_45] : memref<10240x16xf32, #tpu.memory_space<vmem_shared>> -> memref<640x16xf32, #tpu.memory_space<vmem_shared>>
        tpu.enqueue_dma source(%dma_start3A_46 : memref<640x16xf32, #tpu.memory_space<vmem_shared>>) target(%dma_start3A_44 : memref<640x16xf32, #tpu.memory_space<hbm>>) target_semaphore(%run_scoped3A : memref<!tpu.dma_semaphore, #tpu.memory_space<semaphore_mem>>)
        %dma_wait3A = arith.constant 0 : i32
        %dma_wait3A_47 = tpu.memref_slice %arg11[%mul3A_0, %dma_wait3A] : memref<10240x16xf32, #tpu.memory_space<hbm>> -> memref<640x16xf32, #tpu.memory_space<hbm>>
        %dma_wait3A_48 = arith.constant 0 : i32
        %dma_wait3A_49 = tpu.memref_slice %arg24[%mul3A_0, %dma_wait3A_48] : memref<10240x16xf32, #tpu.memory_space<vmem_shared>> -> memref<640x16xf32, #tpu.memory_space<vmem_shared>>
        tpu.wait_dma2 semaphore(%run_scoped3A : memref<!tpu.dma_semaphore, #tpu.memory_space<semaphore_mem>>) src(%dma_wait3A_49 : memref<640x16xf32, #tpu.memory_space<vmem_shared>>) dst(%dma_wait3A_47 : memref<640x16xf32, #tpu.memory_space<hbm>>)
        tpu.yield
      }) : () -> ()
    } else {
    }
    %eq3A_39 = arith.constant 1 : i32
    %eq3A_40 = arith.cmpi eq, %arg0, %eq3A_39 : i32
    %convert_element_type3A_41 = arith.extui %eq3A_40 : i1 to i32
    %cond3A_42 = arith.constant 0 : i32
    %cond3A_43 = arith.cmpi ne, %convert_element_type3A_41, %cond3A_42 : i32
    scf.if %cond3A_43 {
      "tpu.region"() ({
        %run_scoped3A = tpu.sem_alloc : memref<!tpu.dma_semaphore, #tpu.memory_space<semaphore_mem>>
        %dma_start3A = arith.constant 0 : i32
        %dma_start3A_44 = tpu.memref_slice %arg10[%mul3A_0, %dma_start3A] : memref<10240x128xbf16, #tpu.memory_space<hbm>> -> memref<640x128xbf16, #tpu.memory_space<hbm>>
        %dma_start3A_45 = arith.constant 0 : i32
        %dma_start3A_46 = tpu.memref_slice %arg22[%mul3A_0, %dma_start3A_45] : memref<10240x128xbf16, #tpu.memory_space<vmem_shared>> -> memref<640x128xbf16, #tpu.memory_space<vmem_shared>>
        tpu.enqueue_dma source(%dma_start3A_46 : memref<640x128xbf16, #tpu.memory_space<vmem_shared>>) target(%dma_start3A_44 : memref<640x128xbf16, #tpu.memory_space<hbm>>) target_semaphore(%run_scoped3A : memref<!tpu.dma_semaphore, #tpu.memory_space<semaphore_mem>>)
        %dma_wait3A = arith.constant 0 : i32
        %dma_wait3A_47 = tpu.memref_slice %arg10[%mul3A_0, %dma_wait3A] : memref<10240x128xbf16, #tpu.memory_space<hbm>> -> memref<640x128xbf16, #tpu.memory_space<hbm>>
        %dma_wait3A_48 = arith.constant 0 : i32
        %dma_wait3A_49 = tpu.memref_slice %arg22[%mul3A_0, %dma_wait3A_48] : memref<10240x128xbf16, #tpu.memory_space<vmem_shared>> -> memref<640x128xbf16, #tpu.memory_space<vmem_shared>>
        tpu.wait_dma2 semaphore(%run_scoped3A : memref<!tpu.dma_semaphore, #tpu.memory_space<semaphore_mem>>) src(%dma_wait3A_49 : memref<640x128xbf16, #tpu.memory_space<vmem_shared>>) dst(%dma_wait3A_47 : memref<640x128xbf16, #tpu.memory_space<hbm>>)
        tpu.yield
      }) : () -> ()
    } else {
    }
    return
  }
}

module attributes {stable_mosaic.version = 14 : i64} {
  func.func @_prep_body(%arg0: memref<10000x256xf32, #tpu.memory_space<vmem>>, %arg1: memref<256x256xf32, #tpu.memory_space<vmem>>, %arg2: memref<1x512xf32, #tpu.memory_space<vmem>>, %arg3: memref<256x512xf32, #tpu.memory_space<vmem>>, %arg4: memref<1x256xf32, #tpu.memory_space<vmem>>, %arg5: memref<10240x128xbf16, #tpu.memory_space<vmem>>, %arg6: memref<10240x128xbf16, #tpu.memory_space<vmem>>, %arg7: memref<1x256xf32, #tpu.memory_space<vmem>>) attributes {dimension_semantics = [], scalar_prefetch = 0 : i64, scratch_operands = 0 : i64, tpu.core_type = #tpu.core_type<tc>} {
    %get3A = arith.constant 0 : index
    %get3A_0 = arith.constant 0 : index
    %get3A_1 = vector.load %arg0[%get3A, %get3A_0] : memref<10000x256xf32, #tpu.memory_space<vmem>>, vector<10000x256xf32>
    %get3A_2 = arith.constant 0 : index
    %get3A_3 = arith.constant 0 : index
    %get3A_4 = vector.load %arg1[%get3A_2, %get3A_3] : memref<256x256xf32, #tpu.memory_space<vmem>>, vector<256x256xf32>
    %transpose3A = tpu.transpose %get3A_4, [1, 0] : vector<256x256xf32> -> vector<256x256xf32>
    %dot_general3A = arith.constant dense<0.000000e+00> : vector<10000x256xf32>
    %dot_general3A_5 = tpu.matmul %get3A_1, %transpose3A, %dot_general3A {dimension_numbers = #tpu.dot_dimension_numbers<[1], [0], [0], [1], [0, 0, 1, 1], [], []>, transpose_lhs_hint = false} : vector<10000x256xf32>, vector<256x256xf32>, vector<10000x256xf32> -> vector<10000x256xf32>
    %broadcast_in_dim3A = arith.constant 0.000000e+00 : bf16
    %broadcast_in_dim3A_6 = vector.broadcast %broadcast_in_dim3A : bf16 to vector<10240x128xbf16>
    %swap3A = arith.constant 0 : index
    %swap3A_7 = arith.constant 0 : index
    %swap3A_8 = vector.load %arg5[%swap3A, %swap3A_7] : memref<10240x128xbf16, #tpu.memory_space<vmem>>, vector<10240x128xbf16>
    tpu.vector_store %arg5[%swap3A, %swap3A_7], %broadcast_in_dim3A_6 {strides = array<i32>} : memref<10240x128xbf16, #tpu.memory_space<vmem>>, vector<10240x128xbf16>,
    %broadcast_in_dim3A_9 = arith.constant 0.000000e+00 : bf16
    %broadcast_in_dim3A_10 = vector.broadcast %broadcast_in_dim3A_9 : bf16 to vector<10240x128xbf16>
    %swap3A_11 = arith.constant 0 : index
    %swap3A_12 = arith.constant 0 : index
    %swap3A_13 = vector.load %arg6[%swap3A_11, %swap3A_12] : memref<10240x128xbf16, #tpu.memory_space<vmem>>, vector<10240x128xbf16>
    tpu.vector_store %arg6[%swap3A_11, %swap3A_12], %broadcast_in_dim3A_10 {strides = array<i32>} : memref<10240x128xbf16, #tpu.memory_space<vmem>>, vector<10240x128xbf16>,
    %slice3A = vector.extract_strided_slice %dot_general3A_5 {offsets = [0, 0], sizes = [10000, 128], strides = [1, 1]} : vector<10000x256xf32> to vector<10000x128xf32>
    %convert_element_type3A = arith.truncf %slice3A : vector<10000x128xf32> to vector<10000x128xbf16>
    %swap3A_14 = arith.constant 0 : index
    %swap3A_15 = arith.constant 0 : index
    %swap3A_16 = vector.load %arg5[%swap3A_14, %swap3A_15] : memref<10240x128xbf16, #tpu.memory_space<vmem>>, vector<10000x128xbf16>
    tpu.vector_store %arg5[%swap3A_14, %swap3A_15], %convert_element_type3A {strides = array<i32>} : memref<10240x128xbf16, #tpu.memory_space<vmem>>, vector<10000x128xbf16>,
    %slice3A_17 = vector.extract_strided_slice %dot_general3A_5 {offsets = [0, 128], sizes = [10000, 128], strides = [1, 1]} : vector<10000x256xf32> to vector<10000x128xf32>
    %convert_element_type3A_18 = arith.truncf %slice3A_17 : vector<10000x128xf32> to vector<10000x128xbf16>
    %swap3A_19 = arith.constant 0 : index
    %swap3A_20 = arith.constant 0 : index
    %swap3A_21 = vector.load %arg6[%swap3A_19, %swap3A_20] : memref<10240x128xbf16, #tpu.memory_space<vmem>>, vector<10000x128xbf16>
    tpu.vector_store %arg6[%swap3A_19, %swap3A_20], %convert_element_type3A_18 {strides = array<i32>} : memref<10240x128xbf16, #tpu.memory_space<vmem>>, vector<10000x128xbf16>,
    %get3A_22 = arith.constant 0 : index
    %get3A_23 = arith.constant 0 : index
    %get3A_24 = vector.load %arg2[%get3A_22, %get3A_23] : memref<1x512xf32, #tpu.memory_space<vmem>>, vector<1x512xf32>
    %neg3A = arith.constant 0.000000e+00 : f32
    %neg3A_25 = vector.broadcast %neg3A : f32 to vector<1x512xf32>
    %neg3A_26 = arith.subf %neg3A_25, %get3A_24 : vector<1x512xf32>
    %exp3A = math.exp %neg3A_26 : vector<1x512xf32>
    %add3A = arith.constant 1.000000e+00 : f32
    %add3A_27 = vector.broadcast %add3A : f32 to vector<1x512xf32>
    %add3A_28 = arith.addf %add3A_27, %exp3A : vector<1x512xf32>
    %div3A = arith.constant 1.000000e+00 : f32
    %div3A_29 = vector.broadcast %div3A : f32 to vector<1x512xf32>
    %div3A_30 = arith.divf %div3A_29, %add3A_28 : vector<1x512xf32>
    %mul3A = arith.mulf %get3A_24, %div3A_30 : vector<1x512xf32>
    %get3A_31 = arith.constant 0 : index
    %get3A_32 = arith.constant 0 : index
    %get3A_33 = vector.load %arg3[%get3A_31, %get3A_32] : memref<256x512xf32, #tpu.memory_space<vmem>>, vector<256x512xf32>
    %transpose3A_34 = tpu.transpose %get3A_33, [1, 0] : vector<256x512xf32> -> vector<512x256xf32>
    %dot_general3A_35 = arith.constant dense<0.000000e+00> : vector<1x256xf32>
    %dot_general3A_36 = tpu.matmul %mul3A, %transpose3A_34, %dot_general3A_35 {dimension_numbers = #tpu.dot_dimension_numbers<[1], [0], [0], [1], [0, 0, 1, 1], [], []>, transpose_lhs_hint = false} : vector<1x512xf32>, vector<512x256xf32>, vector<1x256xf32> -> vector<1x256xf32>
    %get3A_37 = arith.constant 0 : index
    %get3A_38 = arith.constant 0 : index
    %get3A_39 = vector.load %arg4[%get3A_37, %get3A_38] : memref<1x256xf32, #tpu.memory_space<vmem>>, vector<1x256xf32>
    %add3A_40 = arith.addf %dot_general3A_36, %get3A_39 : vector<1x256xf32>
    %swap3A_41 = arith.constant 0 : index
    %swap3A_42 = arith.constant 0 : index
    %swap3A_43 = vector.load %arg7[%swap3A_41, %swap3A_42] : memref<1x256xf32, #tpu.memory_space<vmem>>, vector<1x256xf32>
    tpu.vector_store %arg7[%swap3A_41, %swap3A_42], %add3A_40 {strides = array<i32>} : memref<1x256xf32, #tpu.memory_space<vmem>>, vector<1x256xf32>,
    return
  }
}

module attributes {stable_mosaic.version = 14 : i64} {
  func.func @_final_body(%arg0: memref<10240x128xbf16, #tpu.memory_space<vmem>>, %arg1: memref<10240x128xbf16, #tpu.memory_space<vmem>>, %arg2: memref<10240x16xf32, #tpu.memory_space<vmem>>, %arg3: memref<1x256xf32, #tpu.memory_space<vmem>>, %arg4: memref<10000x256xf32, #tpu.memory_space<vmem>>) attributes {dimension_semantics = [], scalar_prefetch = 0 : i64, scratch_operands = 0 : i64, tpu.core_type = #tpu.core_type<tc>} {
    %get3A = arith.constant 0 : index
    %get3A_0 = arith.constant 0 : index
    %get3A_1 = vector.load %arg2[%get3A, %get3A_0] : memref<10240x16xf32, #tpu.memory_space<vmem>>, vector<10000x1xf32>
    %eq3A = arith.constant 0.000000e+00 : f32
    %eq3A_2 = vector.broadcast %eq3A : f32 to vector<10000x1xf32>
    %eq3A_3 = arith.cmpf oeq, %get3A_1, %eq3A_2 : vector<10000x1xf32>
    %div3A = arith.constant 1.000000e+00 : f32
    %div3A_4 = vector.broadcast %div3A : f32 to vector<10000x1xf32>
    %div3A_5 = arith.divf %div3A_4, %get3A_1 : vector<10000x1xf32>
    %jit3A = arith.constant 0.000000e+00 : f32
    %broadcast_in_dim3A = vector.broadcast %jit3A : f32 to vector<10000x1xf32>
    %select_n3A = arith.select %eq3A_3, %broadcast_in_dim3A, %div3A_5 : vector<10000x1xi1>, vector<10000x1xf32>
    %get3A_6 = arith.constant 0 : index
    %get3A_7 = arith.constant 0 : index
    %get3A_8 = vector.load %arg0[%get3A_6, %get3A_7] : memref<10240x128xbf16, #tpu.memory_space<vmem>>, vector<10000x128xbf16>
    %convert_element_type3A = arith.extf %get3A_8 : vector<10000x128xbf16> to vector<10000x128xf32>
    %mul3A = vector.broadcast %select_n3A : vector<10000x1xf32> to vector<10000x128xf32>
    %mul3A_9 = arith.mulf %convert_element_type3A, %mul3A : vector<10000x128xf32>
    %get3A_10 = arith.constant 0 : index
    %get3A_11 = arith.constant 0 : index
    %get3A_12 = vector.load %arg1[%get3A_10, %get3A_11] : memref<10240x128xbf16, #tpu.memory_space<vmem>>, vector<10000x128xbf16>
    %convert_element_type3A_13 = arith.extf %get3A_12 : vector<10000x128xbf16> to vector<10000x128xf32>
    %mul3A_14 = vector.broadcast %select_n3A : vector<10000x1xf32> to vector<10000x128xf32>
    %mul3A_15 = arith.mulf %convert_element_type3A_13, %mul3A_14 : vector<10000x128xf32>
    %concatenate3A = tpu.concatenate %mul3A_9, %mul3A_15 in 1 : vector<10000x128xf32>, vector<10000x128xf32> -> vector<10000x256xf32>
    %get3A_16 = arith.constant 0 : index
    %get3A_17 = arith.constant 0 : index
    %get3A_18 = vector.load %arg3[%get3A_16, %get3A_17] : memref<1x256xf32, #tpu.memory_space<vmem>>, vector<1x256xf32>
    %add3A = vector.broadcast %get3A_18 : vector<1x256xf32> to vector<10000x256xf32>
    %add3A_19 = arith.addf %concatenate3A, %add3A : vector<10000x256xf32>
    %neg3A = arith.constant 0.000000e+00 : f32
    %neg3A_20 = vector.broadcast %neg3A : f32 to vector<10000x256xf32>
    %neg3A_21 = arith.subf %neg3A_20, %add3A_19 : vector<10000x256xf32>
    %exp3A = math.exp %neg3A_21 : vector<10000x256xf32>
    %add3A_22 = arith.constant 1.000000e+00 : f32
    %add3A_23 = vector.broadcast %add3A_22 : f32 to vector<10000x256xf32>
    %add3A_24 = arith.addf %add3A_23, %exp3A : vector<10000x256xf32>
    %div3A_25 = arith.constant 1.000000e+00 : f32
    %div3A_26 = vector.broadcast %div3A_25 : f32 to vector<10000x256xf32>
    %div3A_27 = arith.divf %div3A_26, %add3A_24 : vector<10000x256xf32>
    %mul3A_28 = arith.mulf %add3A_19, %div3A_27 : vector<10000x256xf32>
    %swap3A = arith.constant 0 : index
    %swap3A_29 = arith.constant 0 : index
    %swap3A_30 = vector.load %arg4[%swap3A, %swap3A_29] : memref<10000x256xf32, #tpu.memory_space<vmem>>, vector<10000x256xf32>
    tpu.vector_store %arg4[%swap3A, %swap3A_29], %mul3A_28 {strides = array<i32>} : memref<10000x256xf32, #tpu.memory_space<vmem>>, vector<10000x256xf32>,
    return
  }
}

</mosaic_0001>

<sc_bundles>
// kernel: kernel.5.cloned.1.call-start
scs
__scs_entry_jumppad:
0x0: {  	(pc) =	sbr.rel $0x88, $3  }
0x1: {  	(tag) =	ssettag $0x0;
	lr =	simm.s32 $0x1  }
0x2: {  	[smem:$0x3F9B] =	sst lr;
	_ =	strace $0xD0000000  }
0x3: {  	_ = 	snop  }
0x4: {  	_ = 	snop  }
0x5: {  	_ = 	snop  }
0x6: {  	_ = 	snop  }
0x7: {  	_ = 	snop  }
__scs_overlays_trampoline_lowered:
0x8: {  	[smem:$0x3FAA] =	sst s0  }
0x9: {  	[smem:$0x3FAB] =	sst s1  }
0xa: {  	[smem:$0x3FAC] =	sst s2  }
0xb: {  	[smem:$0x3FAD] =	sst s3  }
0xc: {  	[smem:$0x3FAE] =	sst s4  }
0xd: {  	[smem:$0x3FAF] =	sst s5  }
0xe: {  	[smem:$0x3FB0] =	sst s6  }
0xf: {  	[smem:$0x3FB1] =	sst s7  }
0x10: {  	[smem:$0x3FB2] =	sst s8  }
0x11: {  	[smem:$0x3FB3] =	sst s9;
	s0 =	simm.s32 @!p0 $0x0  }
0x12: {  	s1 =	sld [smem:$0x3F99];
	s0 =	simm.s32 @p0 $0x1  }
0x13: {  	[smem:$0x3FB4] =	sst s0;
	s0 =	simm.s32 @!p1 $0x0  }
0x14: {  	s2 =	sld [smem:$0x3F98];
	s0 =	simm.s32 @p1 $0x1  }
0x15: {  	[smem:$0x3FB5] =	sst s0;
	s0 =	simm.s32 @!p2 $0x0  }
0x16: {  	s3 =	sld [smem:$0x3FDB];
	s0 =	simm.s32 @p2 $0x1  }
0x17: {  	s4 =	simm.s32 $0x1BF5;
	[smem:$0x3FB7] =	sst s0  }
0x18: {  	s0 =	sld [smem:$0x3F9A];
	_ =	swait.ge [sflag:s4], $0x0  }
0x19: {  	s7 =	sld [smem:$0x3F9B]  }
0x1a: {  	s8 =	sadd.s32 $0xFFFFE003, lr  }
0x1b: {  	s9 =	sadd.s32 $0xFFFFFEF7, lr;
	s5 =	simm.s32 $0xFFFFFFFF;
	p2 =	slt.u32 s8, $0xFFFFF086  }
0x1c: {  	p1 =	slt.u32 s9, $0xF7A;
	s5 =	simm.s32 @!p2 $0x0  }
0x1d: {  	s5 =	simm.s32 @p1 $0x1;
	p0 =	seq.s32 s7, s2  }
0x1e: {  	s7 =	smul.u32 @!p0 $0xF7A, s2;
	p2 =	seq.s32 @!p0 s5, $0x0  }
0x1f: {  	s9 =	smul.u32 $0xF7A, s1;
	s8 =	simm.s32 @!p0 $0x1BF5;
	p2 =	por !p2, p0  }
0x20: {  	[sflag:s8] =	ssyncset.s32 @!p0 $0xFFFFF086;
	s6 =	sadd.s32 @!p0 s3, s7;
	s7 =	simm.s32 @!p0 $0x108  }
0x21: {  	s3 =	sadd.s32 s3, s9;
	s6 =	sadd.s32 @!p0 $0x88, s6;
	s7 =	simm.s32 @p2 $0x1082  }
0x22: {  	[simem:s7], [sflag:s8] =	dma.local @!p0 [hbm:s6], $0xF7A  }
0x23: {  	s9 =	sor.u32 $0xD0000000, s2;
	s6 =	simm.s32 $0x108;
	_ =	swait.ge @!p0 [sflag:s8], $0x0  }
0x24: {  	s3 =	sadd.s32 $0x88, s3;
	s6 =	simm.s32 @!p1 $0x1082;
	[sflag:s4] =	ssyncset.s32 $0xFFFFF086  }
0x25: {  	[simem:s6], [sflag:s4] =	dma.local [hbm:s3], $0xF7A  }
0x26: {  	[smem:$0x3F9B] =	sst s1;
	(tag) =	ssettag s2;
	_ =	strace s9  }
0x27: {  	s1 =	sld [smem:$0x3FAB]  }
0x28: {  	s2 =	sld [smem:$0x3FAC]  }
0x29: {  	s4 =	sld [smem:$0x3FAE]  }
0x2a: {  	p0 =	seq.s32 s5, $0x0;
	s5 =	sld [smem:$0x3FAF]  }
0x2b: {  	s6 =	sld [smem:$0x3FB0]  }
0x2c: {  	s7 =	sld [smem:$0x3FB1]  }
0x2d: {  	s3 =	simm.s32 $0x108;
	s8 =	sld [smem:$0x3FB2]  }
0x2e: {  	s3 =	simm.s32 @!p0 $0x1082;
	s9 =	sld [smem:$0x3FB3]  }
0x2f: {  	lr =	sadd.s32 s0, s3;
	s0 =	sld [smem:$0x3FAA]  }
0x30: {  	s3 =	sld [smem:$0x3FAD]  }
0x31: {  	[smem:$0x3FB6] =	sst s10  }
0x32: {  	s10 =	sld [smem:$0x3FB4];
	_ =	sdelay $0x3  }
0x33: {  	p0 =	seq.s32 s10, $0x1;
	s10 =	sld [smem:$0x3FB6];
	_ =	sdelay $0x3  }
0x34: {  	[smem:$0x3FB6] =	sst s10  }
0x35: {  	s10 =	sld [smem:$0x3FB5];
	_ =	sdelay $0x3  }
0x36: {  	p1 =	seq.s32 s10, $0x1;
	s10 =	sld [smem:$0x3FB6];
	_ =	sdelay $0x3  }
0x37: {  	[smem:$0x3FB6] =	sst s10  }
0x38: {  	s10 =	sld [smem:$0x3FB7]  }
0x39: {  	_ = 	snop;
	(pc) =	sbr.ind lr, $3  }
0x3a: {  	_ = 	snop  }
0x3b: {  	_ = 	snop  }
0x3c: {  	p2 =	seq.s32 s10, $0x1;
	s10 =	sld [smem:$0x3FB6]  }
0x3d: {  	_ =	shalt  }
0x3e: {  	_ =	shalt  }
0x3f: {  	_ =	shalt  }
0x40: {  	_ =	shalt  }
0x41: {  	_ =	shalt  }
0x42: {  	_ =	shalt  }
0x43: {  	_ =	shalt  }
0x44: {  	_ =	shalt  }
0x45: {  	_ =	shalt  }
0x46: {  	_ =	shalt  }
0x47: {  	_ =	shalt  }
0x48: {  	_ =	shalt  }
0x49: {  	_ =	shalt  }
0x4a: {  	_ =	shalt  }
0x4b: {  	_ =	shalt  }
0x4c: {  	_ =	shalt  }
0x4d: {  	_ =	shalt  }
0x4e: {  	_ =	shalt  }
0x4f: {  	_ =	shalt  }
0x50: {  	_ =	shalt  }
0x51: {  	_ =	shalt  }
0x52: {  	_ =	shalt  }
0x53: {  	_ =	shalt  }
0x54: {  	_ =	shalt  }
0x55: {  	_ =	shalt  }
0x56: {  	_ =	shalt  }
0x57: {  	_ =	shalt  }
0x58: {  	_ =	shalt  }
0x59: {  	_ =	shalt  }
0x5a: {  	_ =	shalt  }
0x5b: {  	_ =	shalt  }
0x5c: {  	_ =	shalt  }
0x5d: {  	_ =	shalt  }
0x5e: {  	_ =	shalt  }
0x5f: {  	_ =	shalt  }
0x60: {  	_ =	shalt  }
0x61: {  	_ =	shalt  }
0x62: {  	_ =	shalt  }
0x63: {  	_ =	shalt  }
0x64: {  	_ =	shalt  }
0x65: {  	_ =	shalt  }
0x66: {  	_ =	shalt  }
0x67: {  	_ =	shalt  }
0x68: {  	_ =	shalt  }
0x69: {  	_ =	shalt  }
0x6a: {  	_ =	shalt  }
0x6b: {  	_ =	shalt  }
0x6c: {  	_ =	shalt  }
0x6d: {  	_ =	shalt  }
0x6e: {  	_ =	shalt  }
0x6f: {  	_ =	shalt  }
0x70: {  	_ =	shalt  }
0x71: {  	_ =	shalt  }
0x72: {  	_ =	shalt  }
0x73: {  	_ =	shalt  }
0x74: {  	_ =	shalt  }
0x75: {  	_ =	shalt  }
0x76: {  	_ =	shalt  }
0x77: {  	_ =	shalt  }
0x78: {  	_ =	shalt  }
0x79: {  	_ =	shalt  }
0x7a: {  	_ =	shalt  }
0x7b: {  	_ =	shalt  }
0x7c: {  	_ =	shalt  }
0x7d: {  	_ =	shalt  }
0x7e: {  	_ =	shalt  }
0x7f: {  	_ =	shalt  }
0x80: {  	_ =	shalt  }
0x81: {  	_ =	shalt  }
0x82: {  	_ =	shalt  }
0x83: {  	_ =	shalt  }
0x84: {  	_ =	shalt  }
0x85: {  	_ =	shalt  }
0x86: {  	_ =	shalt  }
0x87: {  	_ =	shalt  }
.Lfunc_end0:
.L_simem_size_0:
called_computation_lowered:
.L_overlay_start_0:
0x88: {  	s2 =	sld [smem:$0x3FD9]  }
0x89: {  	s3 =	sld [smem:$0x3FFE];
	_ =	sdelay $0x1  }
0x8a: {  	s1 =	srdreg.scid  }
0x8b: {  	s0 =	sand.u32 $0x1, s1  }
0x8c: {  	s17 =	sshll.u32 s0, $0xA;
	s2 =	sadd.s32 s3, s2  }
0x8d: {  	s2 =	sadd.s32 s2, s17  }
0x8e: {  	[smem:$0x3FC2] =	sst s2  }
0x8f: {  	_ = 	snop  }
0x90: {  	s2 =	sld [smem:$0x3FD0];
	(tm) =	ssettm $0x1  }
0x91: {  	s18 =	sld [smem:$0x3FFB];
	_ =	sdelay $0x3  }
0x92: {  	_ =	strace s18  }
0x93: {  	s3 =	sld [smem:$0x3FFC];
	_ =	sdelay $0x3  }
0x94: {  	_ =	strace s3  }
0x95: {  	s3 =	sld [smem:$0x3FFD];
	_ =	sdelay $0x3  }
0x96: {  	_ =	strace s3  }
0x97: {  	_ =	strace $0x8FFFFFFF  }
0x98: {  	s19 =	sld [smem:$0x3FDB];
	_ =	sdelay $0x1  }
0x99: {  	s4 =	simm.s32 $_scs_section_size  }
0x9a: {  	s5 =	simm.s32 $_size__tile_overlayer_lowered;
	s6 =	simm.s32 $_tile_overlayer_lowered  }
0x9b: {  	s22 =	simm.s32 $0x1BFF;
	s21 =	sshll.u32 s6, $0x1;
	s3 =	sadd.s32 s4, s19  }
0x9c: {  	s7 =	simm.s32 $0x0;
	s20 =	sshll.u32 s5, $0x1;
	s5 =	sadd.s32 s21, s3  }
0x9d: {  	[timem:s7], [sflag:s22] =	dma.local [hbm:s5], s20  }
0x9e: {  	_ =	swait.ge [sflag:s22], s20  }
0x9f: {  	s4 =	ssub.s32 $0x0, s20;
	[sflag:s22] =	ssyncset.done $0x0  }
0xa0: {  	[sflag:s22] =	ssyncadd.s32 s4;
	_ =	sdelay $0x1  }
0xa1: {  	s23 =	simm.s32 $0x1B8B  }
0xa2: {  	_ =	swait.ge [sflag:s23], $0x1  }
0xa3: {  	[sflag:s23] =	ssyncset.done $0x0  }
0xa4: {  	s25 =	simm.s32 $0x1B8E;
	s24 =	sld [smem:$0x3FFE];
	[sflag:s23] =	ssyncadd.s32 $0xFFFFFFFF  }
0xa5: {  	s26 =	simm.s32 $execute0_lowered;
	[smem:$0x3FD2] =	sst s25  }
0xa6: {  	s5 =	sshll.u32 s26, $0x1;
	_ =	strace $0x80000046;
	[dreg:$0x1] =	wrdreg $0xFFFFFFFF  }
0xa7: {  	s28 =	simm.s32 $_size_execute0_lowered;
	s3 =	sadd.s32 s3, s5;
	[dreg:$0x0] =	wrdreg $0x0  }
0xa8: {  	s5 =	sshll.u32 s28, $0x1;
	[dreg:$0x2] =	wrdreg s3  }
0xa9: {  	[dreg:$0x3] =	wrdreg s5  }
0xaa: {  	[dreg:$0x4] =	wrdreg $0xC0  }
0xab: {  	_ =	task [dreg:s7], $0x5FFFF  }
0xac: {  	[dreg:$0x1] =	wrdreg $0xFFFFFFFF  }
0xad: {  	[dreg:$0x0] =	wrdreg $0x60  }
0xae: {  	[dreg:$0x2] =	wrdreg s2  }
0xaf: {  	[dreg:$0x3] =	wrdreg s24  }
0xb0: {  	[dreg:$0x4] =	wrdreg $0x64000  }
0xb1: {  	[dreg:$0x5] =	wrdreg $0x104000  }
0xb2: {  	[dreg:$0x6] =	wrdreg $0x1A4000  }
0xb3: {  	[dreg:$0x7] =	wrdreg $0x1CC000  }
0xb4: {  	[dreg:$0x8] =	wrdreg $0x9  }
0xb5: {  	_ =	task.clear_ibuf [dreg:s7], $0x9FFFF;
	_ =	strace $0x90000046  }
0xb6: {  	s29 =	simm.s32 $0x9;
	_ =	strace $0x80000048  }
0xb7: {  	_ =	swait.ge [sflag:s29], $0x1  }
0xb8: {  	[sflag:s29] =	ssyncadd.s32 $0xFFFFFFFF  }
0xb9: {  	_ =	strace $0x90000048  }
0xba: {  	_ =	sfence  }
0xbb: {  	s30 =	sld [smem:$0x0];
	_ =	sdelay $0x2  }
0xbc: {  	s31 =	sshll.u32 s1, $0xD;
	s1 =	sshrl.u32 s1, $0x2  }
0xbd: {  	s3 =	sand.u32 $0x4000, s31;
	s1 =	sadd.s32 s1, s30  }
0xbe: {  	s0 =	sor.u32 s3, s0;
	s1 =	sshll.u32 s1, $0x11  }
0xbf: {  	s0 =	sor.u32 s1, s0  }
0xc0: {  	s0 =	sadd.s32 $0x8F2B, s0  }
0xc1: {  	[sflag:s0] =	ssyncadd.remote.s32 $0x1  }
0xc2: {  	_ =	sfence.sel $0xFFFF  }
0xc3: {  	[dreg:$0x0] =	wrdreg $0xFFFFFFFF;
	(pc) =	sbr.abs _section_cstart, $3  }
0xc4: {  	[dreg:$0x1] =	wrdreg $0xFFFFFFFF  }
0xc5: {  	_ =	task.clear_ibuf [dreg:s7], $0x2FFFF;
	_ =	strace $0x9FFFFFFF  }
0xc6: {  	(tm) =	ssettm $0x7FFFFFFF  }
0xc7: {  	_ =	shalt  }
tec
execute0_lowered:
.L_overlay_start_1:
0x0: {  	(tag) =	ssettag $0x1  }
0x1: {  	s1 =	rddreg [dreg:$0x0]  }
0x2: {  	s0 =	rddreg [dreg:$0x1]  }
0x3: {  	s2 =	rddreg [dreg:$0x2]  }
0x4: {  	s3 =	rddreg [dreg:$0x3]  }
0x5: {  	s4 =	rddreg [dreg:$0x4]  }
0x6: {  	s5 =	rddreg [dreg:$0x5]  }
0x7: {  	s6 =	simm.s32 $0x0;
	s15 =	stileid.u32;
	s23 =	srdreg.scid  }
0x8: {  	s28 =	simm.s32 $0x3000;
	s29 =	simm.s32 $0x800;
	s30 =	simm.s32 $0x40  }
0x9: {  	s31 =	simm.s32 $0x1000;
	[smem:$0x7FF] =	sst s6;
	s8 =	sadd.s32 $0xB200, s0  }
0xa: {  	s9 =	sadd.s32 $0x6200, s0;
	s22 =	smul.u32 $0x14000, s15;
	s7 =	sadd.s32 $0x1F400, s0  }
0xb: {  	s11 =	sadd.s32 $0x1000, s0;
	_ =	strace $0x80000047;
	[dreg:$0x7] =	wrdreg s7  }
0xc: {  	s12 =	smul.u32 $0x2800, s15;
	s24 =	sadd.s32 $0x1F200, s0;
	[dreg:$0x8] =	wrdreg s11  }
0xd: {  	s10 =	sadd.s32 $0x1200, s0;
	[dreg:$0x9] =	wrdreg s24;
	s7 =	sand.u32 $0x1, s23  }
0xe: {  	s25 =	sshrl.u32 s22, $0x4;
	s13 =	sshrl.u32 s12, $0x3;
	s6 =	sshrl.u32 s22, $0x1  }
0xf: {  	s14 =	ssub.s32 $0x2, s7;
	s19 =	sor.u32 $0x400, s12;
	s6 =	sadd.s32 s6, s3  }
0x10: {  	s20 =	sadd.s32 $0x800, s12;
	s21 =	sadd.s32 s19, s4;
	[dreg:$0xb] =	wrdreg s6  }
0x11: {  	s24 =	sadd.s32 $0xC00, s12;
	s22 =	sadd.s32 s20, s4;
	[dreg:$0xf] =	wrdreg s21  }
0x12: {  	p0 =	sne.s32 s7, $0x0;
	s23 =	sadd.s32 s20, s5;
	[dreg:$0x11] =	wrdreg s22  }
0x13: {  	s11 =	sadd.s32 s25, s0;
	s25 =	sadd.s32 s24, s4;
	[dreg:$0x12] =	wrdreg s23  }
0x14: {  	s0 =	sadd.s32 s13, s0;
	s16 =	sadd.s32 $0x33600, s11;
	[dreg:$0x13] =	wrdreg s25  }
0x15: {  	s26 =	sshrl.u32 s14, $0x1;
	s17 =	sadd.s32 $0x1F600, s11;
	[dreg:$0xa] =	wrdreg s16  }
0x16: {  	s20 =	smul.u32 $0x28000, s15;
	s0 =	sadd.s32 $0x47600, s0;
	[dreg:$0xc] =	wrdreg s17  }
0x17: {  	s13 =	ssub.s32 s14, s26;
	s25 =	sadd.s32 s12, s5;
	[dreg:$0xd] =	wrdreg s0  }
0x18: {  	s26 =	sadd.s32 $0x1000, s12;
	s18 =	smax.u32 s13, $0x1;
	[smem:$0x7FC] =	sst s25  }
0x19: {  	s11 =	sadd.s32 $0x1400, s12;
	s0 =	sadd.s32 s19, s5;
	[dreg:$0xe] =	wrdreg s18  }
0x1a: {  	s14 =	sadd.s32 $0x1800, s12;
	s7 =	sadd.s32 s26, s4;
	[dreg:$0x10] =	wrdreg s0  }
0x1b: {  	s22 =	sadd.s32 $0x2400, s12;
	s13 =	sadd.s32 s11, s4;
	[dreg:$0x15] =	wrdreg s7  }
0x1c: {  	s16 =	sadd.s32 s14, s4;
	s17 =	sadd.s32 $0x1C00, s12;
	[dreg:$0x17] =	wrdreg s13  }
0x1d: {  	s19 =	sadd.s32 $0x2000, s12;
	s0 =	sadd.s32 s24, s5;
	[dreg:$0x19] =	wrdreg s16  }
0x1e: {  	s23 =	sshrl.u32 s20, $0x2;
	s18 =	sadd.s32 s17, s4;
	[dreg:$0x14] =	wrdreg s0  }
0x1f: {  	s25 =	simm.s32 $0x3;
	s21 =	sadd.s32 s19, s4;
	[dreg:$0x1b] =	wrdreg s18  }
0x20: {  	s6 =	sadd.s32 s19, s5;
	s24 =	sadd.s32 s22, s4;
	[dreg:$0x1d] =	wrdreg s21  }
0x21: {  	s19 =	sadd.s32 s23, s3;
	s20 =	sadd.s32 s23, s2;
	[dreg:$0x1e] =	wrdreg s6  }
0x22: {  	s13 =	simm.s32 $0xF80;
	s0 =	sadd.s32 s26, s5;
	[dreg:$0x1f] =	wrdreg s24  }
0x23: {  	s21 =	smul.u32 $0x280, s15;
	s26 =	sadd.s32 s12, s4;
	s24 =	simm.s32 $0x3400  }
0x24: {  	s6 =	simm.s32 $0x1;
	s15 =	simm.s32 $0x3C00;
	[dreg:$0x16] =	wrdreg s0  }
0x25: {  	s18 =	simm.s32 $0x0;
	s0 =	sadd.s32 s11, s5;
	[smem:$0x7FD] =	sst s26  }
0x26: {  	s26 =	simm.s32 $0x3800;
	[dreg:$0x18] =	wrdreg s0;
	s0 =	sadd.s32 s14, s5  }
0x27: {  	s11 =	simm.s32 $0x2;
	[dreg:$0x1a] =	wrdreg s0;
	s0 =	sadd.s32 s17, s5  }
0x28: {  	s14 =	simm.s32 $0xFC0;
	[dreg:$0x1c] =	wrdreg s0;
	s0 =	sadd.s32 s22, s5  }
0x29: {  	s17 =	simm.s32 $0x5C00;
	[smem:$0x7FB] =	sst s0;
	s0 =	simm.s32 $0x2000  }
.LBB2_1:
0x2a: {  	[smem:$0x7FA] =	sst s18  }
0x2b: {  	s7 =	simm.s32 $0x0;
	s16 =	rddreg [dreg:$0x8]  }
0x2c: {  	[tilespmem:s24], [sflag:$0x3] =	stream.linear.gather [hbm4b:s16+s7], $0x400, $0x38;
	[tilespmem:$0x1F400] =	vst v63  }
0x2d: {  	_ =	swait.ge [sflag:s25], $0x400  }
0x2e: {  	[sflag:s25] =	ssyncset.done $0x0  }
0x2f: {  	s23 =	rddreg [dreg:$0x9];
	[sflag:s25] =	ssyncadd.s32 $0xFFFFFC00  }
0x30: {  	[tilespmem:s26], [sflag:$0x3] =	stream.linear.gather [hbm4b:s23+s7], $0x400, $0x38;
	[tilespmem:$0x1F400] =	vst v63  }
0x31: {  	_ =	swait.ge [sflag:s25], $0x400  }
0x32: {  	[sflag:s25] =	ssyncset.done $0x0  }
0x33: {  	s18 =	rddreg [dreg:$0x7];
	[sflag:s25] =	ssyncadd.s32 $0xFFFFFC00  }
0x34: {  	[tilespmem:s28], [sflag:$0x3] =	stream.linear.gather [hbm4b:s18+s7], $0x400, $0x38;
	[tilespmem:$0x1F400] =	vst v63  }
0x35: {  	_ =	swait.ge [sflag:s25], $0x400  }
0x36: {  	[sflag:s25] =	ssyncset.done $0x0  }
0x37: {  	s22 =	sadd.s32 $0x0, s20;
	[sflag:s25] =	ssyncadd.s32 $0xFFFFFC00  }
0x38: {  	[spmem:s22] =	stream.linear.scatter [tilespmem:s24], [sflag:$0x3], $0x400, $0x38;
	[tilespmem:$0x1F400] =	vst v63  }
0x39: {  	_ =	swait.ge [sflag:s25], $0x400  }
0x3a: {  	[sflag:s25] =	ssyncset.done $0x0  }
0x3b: {  	s23 =	sadd.s32 $0x0, s19;
	[sflag:s25] =	ssyncadd.s32 $0xFFFFFC00  }
0x3c: {  	[spmem:s23] =	stream.linear.scatter [tilespmem:s24], [sflag:$0x3], $0x400, $0x38;
	[tilespmem:$0x1F400] =	vst v63  }
0x3d: {  	_ =	swait.ge [sflag:s25], $0x400  }
0x3e: {  	s16 =	simm.s32 $0x2000;
	s7 =	simm.s32 $0x400;
	[sflag:s25] =	ssyncset.done $0x0  }
.LBB2_2:
0x3f: {  	s18 =	sadd.s32 s7, s20  }
0x40: {  	[sflag:s25] =	ssyncadd.s32 $0xFFFFFC00;
	s22 =	smov.u32 s16;
	s23 =	sadd.s32 $0x1000, s16  }
0x41: {  	[spmem:s18] =	stream.linear.scatter [tilespmem:s24], [sflag:$0x3], $0x400, $0x38;
	[tilespmem:$0x1F400] =	vst v63  }
0x42: {  	p1 =	sne.s32 s16, $0x27000;
	_ =	swait.ge [sflag:s25], $0x400  }
.Ltmp0:
0x43: {  	[sflag:s25] =	ssyncset.done $0x0;
	(pc) =	sbr.rel @p1 .LBB2_2-.Ltmp0, $4  }
0x44: {  	s7 =	sadd.s32 s7, s19;
	[sflag:s25] =	ssyncadd.s32 $0xFFFFFC00  }
0x45: {  	[spmem:s7] =	stream.linear.scatter [tilespmem:s24], [sflag:$0x3], $0x400, $0x38;
	[tilespmem:$0x1F400] =	vst v63  }
0x46: {  	_ =	swait.ge [sflag:s25], $0x400  }
0x47: {  	s16 =	smov.u32 s23;
	s7 =	sshra.s32 s22, $0x2;
	[sflag:s25] =	ssyncset.done $0x0  }
0x48: {  	s16 =	sadd.s32 s7, s20;
	[sflag:s25] =	ssyncadd.s32 $0xFFFFFC00  }
0x49: {  	[spmem:s16] =	stream.linear.scatter [tilespmem:s24], [sflag:$0x3], $0x400, $0x38;
	[tilespmem:$0x1F400] =	vst v63  }
0x4a: {  	_ =	swait.ge [sflag:s25], $0x400  }
0x4b: {  	[sflag:s25] =	ssyncset.done $0x0  }
0x4c: {  	s23 =	sadd.s32 s7, s19;
	[sflag:s25] =	ssyncadd.s32 $0xFFFFFC00  }
0x4d: {  	[spmem:s23] =	stream.linear.scatter [tilespmem:s24], [sflag:$0x3], $0x400, $0x38;
	[tilespmem:$0x1F400] =	vst v63  }
0x4e: {  	_ =	swait.ge [sflag:s25], $0x400  }
0x4f: {  	s16 =	sld [smem:$0x7FD]  }
0x50: {  	[sflag:s25] =	ssyncset.done $0x0  }
0x51: {  	[sflag:s25] =	ssyncadd.s32 $0xFFFFFC00  }
0x52: {  	[spmem:s16] =	stream.linear.scatter [tilespmem:s26], [sflag:$0x3], $0x400, $0x38;
	[tilespmem:$0x1F400] =	vst v63  }
0x53: {  	_ =	swait.ge [sflag:s25], $0x400  }
0x54: {  	s18 =	sld [smem:$0x7FC]  }
0x55: {  	[sflag:s25] =	ssyncset.done $0x0  }
0x56: {  	[sflag:s25] =	ssyncadd.s32 $0xFFFFFC00  }
0x57: {  	[spmem:s18] =	stream.linear.scatter [tilespmem:s26], [sflag:$0x3], $0x400, $0x38;
	[tilespmem:$0x1F400] =	vst v63  }
0x58: {  	_ =	swait.ge [sflag:s25], $0x400  }
0x59: {  	[sflag:s25] =	ssyncset.done $0x0  }
0x5a: {  	s22 =	rddreg [dreg:$0xf];
	[sflag:s25] =	ssyncadd.s32 $0xFFFFFC00  }
0x5b: {  	[spmem:s22] =	stream.linear.scatter [tilespmem:s26], [sflag:$0x3], $0x400, $0x38;
	[tilespmem:$0x1F400] =	vst v63  }
0x5c: {  	_ =	swait.ge [sflag:s25], $0x400  }
0x5d: {  	[sflag:s25] =	ssyncset.done $0x0  }
0x5e: {  	s23 =	rddreg [dreg:$0x10];
	[sflag:s25] =	ssyncadd.s32 $0xFFFFFC00  }
0x5f: {  	[spmem:s23] =	stream.linear.scatter [tilespmem:s26], [sflag:$0x3], $0x400, $0x38;
	[tilespmem:$0x1F400] =	vst v63  }
0x60: {  	_ =	swait.ge [sflag:s25], $0x400  }
0x61: {  	[sflag:s25] =	ssyncset.done $0x0  }
0x62: {  	s16 =	rddreg [dreg:$0x11];
	[sflag:s25] =	ssyncadd.s32 $0xFFFFFC00  }
0x63: {  	[spmem:s16] =	stream.linear.scatter [tilespmem:s26], [sflag:$0x3], $0x400, $0x38;
	[tilespmem:$0x1F400] =	vst v63  }
0x64: {  	_ =	swait.ge [sflag:s25], $0x400  }
0x65: {  	[sflag:s25] =	ssyncset.done $0x0  }
0x66: {  	s18 =	rddreg [dreg:$0x12];
	[sflag:s25] =	ssyncadd.s32 $0xFFFFFC00  }
0x67: {  	[spmem:s18] =	stream.linear.scatter [tilespmem:s26], [sflag:$0x3], $0x400, $0x38;
	[tilespmem:$0x1F400] =	vst v63  }
0x68: {  	_ =	swait.ge [sflag:s25], $0x400  }
0x69: {  	[sflag:s25] =	ssyncset.done $0x0  }
0x6a: {  	s22 =	rddreg [dreg:$0x13];
	[sflag:s25] =	ssyncadd.s32 $0xFFFFFC00  }
0x6b: {  	[spmem:s22] =	stream.linear.scatter [tilespmem:s26], [sflag:$0x3], $0x400, $0x38;
	[tilespmem:$0x1F400] =	vst v63  }
0x6c: {  	_ =	swait.ge [sflag:s25], $0x400  }
0x6d: {  	[sflag:s25] =	ssyncset.done $0x0  }
0x6e: {  	s23 =	rddreg [dreg:$0x14];
	[sflag:s25] =	ssyncadd.s32 $0xFFFFFC00  }
0x6f: {  	[spmem:s23] =	stream.linear.scatter [tilespmem:s26], [sflag:$0x3], $0x400, $0x38;
	[tilespmem:$0x1F400] =	vst v63  }
0x70: {  	_ =	swait.ge [sflag:s25], $0x400  }
0x71: {  	[sflag:s25] =	ssyncset.done $0x0  }
0x72: {  	s16 =	rddreg [dreg:$0x15];
	[sflag:s25] =	ssyncadd.s32 $0xFFFFFC00  }
0x73: {  	[spmem:s16] =	stream.linear.scatter [tilespmem:s26], [sflag:$0x3], $0x400, $0x38;
	[tilespmem:$0x1F400] =	vst v63  }
0x74: {  	_ =	swait.ge [sflag:s25], $0x400  }
0x75: {  	[sflag:s25] =	ssyncset.done $0x0  }
0x76: {  	s18 =	rddreg [dreg:$0x16];
	[sflag:s25] =	ssyncadd.s32 $0xFFFFFC00  }
0x77: {  	[spmem:s18] =	stream.linear.scatter [tilespmem:s26], [sflag:$0x3], $0x400, $0x38;
	[tilespmem:$0x1F400] =	vst v63  }
0x78: {  	_ =	swait.ge [sflag:s25], $0x400  }
0x79: {  	[sflag:s25] =	ssyncset.done $0x0  }
0x7a: {  	s22 =	rddreg [dreg:$0x17];
	[sflag:s25] =	ssyncadd.s32 $0xFFFFFC00  }
0x7b: {  	[spmem:s22] =	stream.linear.scatter [tilespmem:s26], [sflag:$0x3], $0x400, $0x38;
	[tilespmem:$0x1F400] =	vst v63  }
0x7c: {  	_ =	swait.ge [sflag:s25], $0x400  }
0x7d: {  	[sflag:s25] =	ssyncset.done $0x0  }
0x7e: {  	s23 =	rddreg [dreg:$0x18];
	[sflag:s25] =	ssyncadd.s32 $0xFFFFFC00  }
0x7f: {  	[spmem:s23] =	stream.linear.scatter [tilespmem:s26], [sflag:$0x3], $0x400, $0x38;
	[tilespmem:$0x1F400] =	vst v63  }
0x80: {  	_ =	swait.ge [sflag:s25], $0x400  }
0x81: {  	[sflag:s25] =	ssyncset.done $0x0  }
0x82: {  	s16 =	rddreg [dreg:$0x19];
	[sflag:s25] =	ssyncadd.s32 $0xFFFFFC00  }
0x83: {  	[spmem:s16] =	stream.linear.scatter [tilespmem:s26], [sflag:$0x3], $0x400, $0x38;
	[tilespmem:$0x1F400] =	vst v63  }
0x84: {  	_ =	swait.ge [sflag:s25], $0x400  }
0x85: {  	[sflag:s25] =	ssyncset.done $0x0  }
0x86: {  	s18 =	rddreg [dreg:$0x1a];
	[sflag:s25] =	ssyncadd.s32 $0xFFFFFC00  }
0x87: {  	[spmem:s18] =	stream.linear.scatter [tilespmem:s26], [sflag:$0x3], $0x400, $0x38;
	[tilespmem:$0x1F400] =	vst v63  }
0x88: {  	_ =	swait.ge [sflag:s25], $0x400  }
0x89: {  	[sflag:s25] =	ssyncset.done $0x0  }
0x8a: {  	s22 =	rddreg [dreg:$0x1b];
	[sflag:s25] =	ssyncadd.s32 $0xFFFFFC00  }
0x8b: {  	[spmem:s22] =	stream.linear.scatter [tilespmem:s26], [sflag:$0x3], $0x400, $0x38;
	[tilespmem:$0x1F400] =	vst v63  }
0x8c: {  	_ =	swait.ge [sflag:s25], $0x400  }
0x8d: {  	[sflag:s25] =	ssyncset.done $0x0  }
0x8e: {  	s23 =	rddreg [dreg:$0x1c];
	[sflag:s25] =	ssyncadd.s32 $0xFFFFFC00  }
0x8f: {  	[spmem:s23] =	stream.linear.scatter [tilespmem:s26], [sflag:$0x3], $0x400, $0x38;
	[tilespmem:$0x1F400] =	vst v63  }
0x90: {  	_ =	swait.ge [sflag:s25], $0x400  }
0x91: {  	[sflag:s25] =	ssyncset.done $0x0  }
0x92: {  	s16 =	rddreg [dreg:$0x1d];
	[sflag:s25] =	ssyncadd.s32 $0xFFFFFC00  }
0x93: {  	[spmem:s16] =	stream.linear.scatter [tilespmem:s26], [sflag:$0x3], $0x400, $0x38;
	[tilespmem:$0x1F400] =	vst v63  }
0x94: {  	_ =	swait.ge [sflag:s25], $0x400  }
0x95: {  	[sflag:s25] =	ssyncset.done $0x0  }
0x96: {  	s18 =	rddreg [dreg:$0x1e];
	[sflag:s25] =	ssyncadd.s32 $0xFFFFFC00  }
0x97: {  	[spmem:s18] =	stream.linear.scatter [tilespmem:s26], [sflag:$0x3], $0x400, $0x38;
	[tilespmem:$0x1F400] =	vst v63  }
0x98: {  	_ =	swait.ge [sflag:s25], $0x400  }
0x99: {  	[sflag:s25] =	ssyncset.done $0x0  }
0x9a: {  	s22 =	rddreg [dreg:$0x1f];
	[sflag:s25] =	ssyncadd.s32 $0xFFFFFC00  }
0x9b: {  	[spmem:s22] =	stream.linear.scatter [tilespmem:s26], [sflag:$0x3], $0x400, $0x38;
	[tilespmem:$0x1F400] =	vst v63  }
0x9c: {  	_ =	swait.ge [sflag:s25], $0x400  }
0x9d: {  	s23 =	sld [smem:$0x7FB]  }
0x9e: {  	[sflag:s25] =	ssyncset.done $0x0  }
0x9f: {  	[sflag:s25] =	ssyncadd.s32 $0xFFFFFC00  }
0xa0: {  	[spmem:s23] =	stream.linear.scatter [tilespmem:s26], [sflag:$0x3], $0x400, $0x38;
	[tilespmem:$0x1F400] =	vst v63  }
.Ltmp1:
0xa1: {  	_ =	swait.ge [sflag:s25], $0x400;
	(pc) =	sbr.rel @p0 .LBB2_7-.Ltmp1, $4  }
0xa2: {  	[sflag:s25] =	ssyncset.done $0x0  }
0xa3: {  	[sflag:s25] =	ssyncadd.s32 $0xFFFFFC00  }
0xa4: {  	[bflag:$0x0] =	sbarrier.arrive $0xFFFF  }
0xa5: {  	s7 =	simm.s32 $0x0;
	s16 =	simm.s32 $0x0;
	s23 =	simm.s32 $0x0  }
.LBB2_4:
0xa6: {  	s16 =	sshll.u32 s7, $0xB  }
0xa7: {  	s16 =	sadd.s32 s12, s16  }
0xa8: {  	s16 =	sshrl.u32 s16, $0x3  }
0xa9: {  	s18 =	sadd.s32 s9, s16  }
0xaa: {  	[tilespmem:s23], [sflag:$0x3] =	stream.linear.gather [hbm4b:s18+s23], $0x800, $0x38;
	[tilespmem:$0x1F400] =	vst v63  }
0xab: {  	_ =	swait.ge [sflag:s25], $0x800  }
0xac: {  	[sflag:s25] =	ssyncset.done $0x0  }
0xad: {  	s16 =	sadd.s32 s10, s16;
	[sflag:s25] =	ssyncadd.s32 $0xFFFFF800  }
0xae: {  	[tilespmem:s29], [sflag:$0x3] =	stream.linear.gather [hbm4b:s16+s23], $0x800, $0x38;
	[tilespmem:$0x1F400] =	vst v63  }
0xaf: {  	_ =	swait.ge [sflag:s25], $0x800  }
0xb0: {  	[sflag:s25] =	ssyncset.done $0x0  }
0xb1: {  	[sflag:s25] =	ssyncadd.s32 $0xFFFFF800  }
0xb2: {  	[tilespmem:s31], [sflag:$0x1] =	stream.indirect.gather [hbm4b:s1+s30], $0x40, s23, s30, $0xb8;
	[tilespmem:$0x1F400] =	vst v63  }
0xb3: {  	_ = 	snop  }
0xb4: {  	[tilespmem:s0], [sflag:$0x2] =	stream.indirect.gather [hbm4b:s1+s30], $0x40, s30, s30, $0xb8;
	[tilespmem:$0x1F400] =	vst v63  }
0xb5: {  	_ =	swait.ge [sflag:s6], $0x1000  }
0xb6: {  	[sflag:s6] =	ssyncset.done $0x0  }
0xb7: {  	s22 =	simm.s32 $0x800;
	[sflag:s6] =	ssyncadd.s32 $0xFFFFF000  }
0xb8: {  	[spmem:s2] =	stream.indirect.scatter.add.bf16 [tilespmem:s31], [sflag:$0x3], $0x40, s22, s30, $0xb8;
	[tilespmem:$0x1F400] =	vst v63  }
0xb9: {  	_ =	swait.ge [sflag:s25], $0x1000  }
0xba: {  	[sflag:s25] =	ssyncset.done $0x0  }
0xbb: {  	[sflag:s25] =	ssyncadd.s32 $0xFFFFF000  }
0xbc: {  	[spmem:s4] =	stream.indirect.scatter.add.f32 [tilespmem:s28], [sflag:$0x3], $0x10, s22, s30, $0xb8;
	[tilespmem:$0x1F400] =	vst v63  }
0xbd: {  	_ =	swait.ge [sflag:s25], $0x400  }
0xbe: {  	[sflag:s25] =	ssyncset.done $0x0  }
0xbf: {  	s18 =	simm.s32 $0x80;
	[sflag:s25] =	ssyncadd.s32 $0xFFFFFC00  }
0xc0: {  	[tilespmem:s31], [sflag:$0x1] =	stream.indirect.gather [hbm4b:s1+s30], $0x40, s18, s30, $0xb8;
	[tilespmem:$0x1F400] =	vst v63  }
0xc1: {  	_ =	swait.ge [sflag:s11], $0x1000  }
0xc2: {  	[sflag:s11] =	ssyncset.done $0x0  }
0xc3: {  	s22 =	simm.s32 $0x840;
	[sflag:s11] =	ssyncadd.s32 $0xFFFFF000  }
0xc4: {  	[spmem:s2] =	stream.indirect.scatter.add.bf16 [tilespmem:s0], [sflag:$0x3], $0x40, s22, s30, $0xb8;
	[tilespmem:$0x1F400] =	vst v63  }
0xc5: {  	_ =	swait.ge [sflag:s25], $0x1000  }
0xc6: {  	[sflag:s25] =	ssyncset.done $0x0  }
0xc7: {  	[sflag:s25] =	ssyncadd.s32 $0xFFFFF000  }
0xc8: {  	[spmem:s4] =	stream.indirect.scatter.add.f32 [tilespmem:s28], [sflag:$0x3], $0x10, s22, s30, $0xb8;
	[tilespmem:$0x1F400] =	vst v63  }
0xc9: {  	_ =	swait.ge [sflag:s25], $0x400  }
0xca: {  	[sflag:s25] =	ssyncset.done $0x0  }
0xcb: {  	s16 =	simm.s32 $0x200;
	s18 =	simm.s32 $0xC0;
	[sflag:s25] =	ssyncadd.s32 $0xFFFFFC00  }
.LBB2_5:
0xcc: {  	[tilespmem:s0], [sflag:$0x2] =	stream.indirect.gather [hbm4b:s1+s30], $0x40, s18, s30, $0xb8;
	[tilespmem:$0x1F400] =	vst v63  }
0xcd: {  	s18 =	smov.u32 s16  }
0xce: {  	p1 =	sne.s32 s16, $0x1C00;
	s16 =	sadd.s32 $0x200, s16;
	_ =	swait.ge [sflag:s6], $0x1000  }
0xcf: {  	s18 =	sshra.s32 s18, $0x2;
	[sflag:s6] =	ssyncset.done $0x0  }
0xd0: {  	s22 =	sadd.s32 $0x800, s18;
	[sflag:s6] =	ssyncadd.s32 $0xFFFFF000  }
0xd1: {  	[spmem:s2] =	stream.indirect.scatter.add.bf16 [tilespmem:s31], [sflag:$0x3], $0x40, s22, s30, $0xb8;
	[tilespmem:$0x1F400] =	vst v63  }
0xd2: {  	_ =	swait.ge [sflag:s25], $0x1000  }
0xd3: {  	[sflag:s25] =	ssyncset.done $0x0  }
0xd4: {  	[sflag:s25] =	ssyncadd.s32 $0xFFFFF000  }
0xd5: {  	[spmem:s4] =	stream.indirect.scatter.add.f32 [tilespmem:s28], [sflag:$0x3], $0x10, s22, s30, $0xb8;
	[tilespmem:$0x1F400] =	vst v63  }
0xd6: {  	_ =	swait.ge [sflag:s25], $0x400  }
0xd7: {  	[sflag:s25] =	ssyncset.done $0x0  }
0xd8: {  	s22 =	sadd.s32 $0x80, s18;
	[sflag:s25] =	ssyncadd.s32 $0xFFFFFC00  }
0xd9: {  	[tilespmem:s31], [sflag:$0x1] =	stream.indirect.gather [hbm4b:s1+s30], $0x40, s22, s30, $0xb8;
	[tilespmem:$0x1F400] =	vst v63  }
0xda: {  	_ =	swait.ge [sflag:s11], $0x1000  }
0xdb: {  	[sflag:s11] =	ssyncset.done $0x0  }
0xdc: {  	s22 =	sadd.s32 $0x840, s18;
	[sflag:s11] =	ssyncadd.s32 $0xFFFFF000  }
0xdd: {  	[spmem:s2] =	stream.indirect.scatter.add.bf16 [tilespmem:s0], [sflag:$0x3], $0x40, s22, s30, $0xb8;
	[tilespmem:$0x1F400] =	vst v63  }
0xde: {  	_ =	swait.ge [sflag:s25], $0x1000  }
0xdf: {  	[sflag:s25] =	ssyncset.done $0x0  }
.Ltmp2:
0xe0: {  	[sflag:s25] =	ssyncadd.s32 $0xFFFFF000;
	(pc) =	sbr.rel @p1 .LBB2_5-.Ltmp2, $4  }
0xe1: {  	[spmem:s4] =	stream.indirect.scatter.add.f32 [tilespmem:s28], [sflag:$0x3], $0x10, s22, s30, $0xb8;
	[tilespmem:$0x1F400] =	vst v63  }
0xe2: {  	_ =	swait.ge [sflag:s25], $0x400  }
0xe3: {  	[sflag:s25] =	ssyncset.done $0x0  }
0xe4: {  	s18 =	sadd.s32 $0xC0, s18;
	[sflag:s25] =	ssyncadd.s32 $0xFFFFFC00  }
0xe5: {  	[tilespmem:s0], [sflag:$0x2] =	stream.indirect.gather [hbm4b:s1+s30], $0x40, s18, s30, $0xb8;
	[tilespmem:$0x1F400] =	vst v63  }
0xe6: {  	_ =	swait.ge [sflag:s6], $0x1000  }
0xe7: {  	[sflag:s6] =	ssyncset.done $0x0  }
0xe8: {  	[sflag:s6] =	ssyncadd.s32 $0xFFFFF000  }
0xe9: {  	[spmem:s2] =	stream.indirect.scatter.add.bf16 [tilespmem:s31], [sflag:$0x3], $0x40, s13, s30, $0xb8;
	[tilespmem:$0x1F400] =	vst v63  }
0xea: {  	_ =	swait.ge [sflag:s25], $0x1000  }
0xeb: {  	[sflag:s25] =	ssyncset.done $0x0  }
0xec: {  	[sflag:s25] =	ssyncadd.s32 $0xFFFFF000  }
0xed: {  	[spmem:s4] =	stream.indirect.scatter.add.f32 [tilespmem:s28], [sflag:$0x3], $0x10, s13, s30, $0xb8;
	[tilespmem:$0x1F400] =	vst v63  }
0xee: {  	_ =	swait.ge [sflag:s25], $0x400  }
0xef: {  	[sflag:s25] =	ssyncset.done $0x0  }
0xf0: {  	[sflag:s25] =	ssyncadd.s32 $0xFFFFFC00  }
0xf1: {  	_ =	swait.ge [sflag:s11], $0x1000  }
0xf2: {  	[sflag:s11] =	ssyncset.done $0x0  }
0xf3: {  	[sflag:s11] =	ssyncadd.s32 $0xFFFFF000  }
0xf4: {  	[spmem:s2] =	stream.indirect.scatter.add.bf16 [tilespmem:s0], [sflag:$0x3], $0x40, s14, s30, $0xb8;
	[tilespmem:$0x1F400] =	vst v63  }
0xf5: {  	_ =	swait.ge [sflag:s25], $0x1000  }
0xf6: {  	s7 =	sadd.s32 $0x1, s7;
	[sflag:s25] =	ssyncset.done $0x0  }
0xf7: {  	p1 =	seq.s32 s7, $0x5;
	[sflag:s25] =	ssyncadd.s32 $0xFFFFF000  }
0xf8: {  	[spmem:s4] =	stream.indirect.scatter.add.f32 [tilespmem:s28], [sflag:$0x3], $0x10, s14, s30, $0xb8;
	[tilespmem:$0x1F400] =	vst v63  }
.Ltmp3:
0xf9: {  	_ = 	snop;
	(pc) =	sbr.rel @!p1 .LBB2_4-.Ltmp3, $4  }
.Ltmp4:
0xfa: {  	_ = 	snop;
	(pc) =	sbr.rel @p1 .LBB2_10-.Ltmp4, $4  }
0xfb: {  	_ =	swait.ge [sflag:s25], $0x400  }
0xfc: {  	[sflag:s25] =	ssyncset.done $0x0  }
0xfd: {  	[sflag:s25] =	ssyncadd.s32 $0xFFFFFC00  }
0xfe: {  	_ = 	snop  }
.LBB2_7:
0xff: {  	s7 =	sshll.u32 s16, $0xB  }
0x100: {  	s7 =	sadd.s32 s12, s7  }
0x101: {  	s7 =	sshrl.u32 s7, $0x3  }
0x102: {  	s18 =	sadd.s32 s9, s7  }
0x103: {  	[tilespmem:s23], [sflag:$0x3] =	stream.linear.gather [hbm4b:s18+s23], $0x800, $0x38;
	[tilespmem:$0x1F400] =	vst v63  }
0x104: {  	_ =	swait.ge [sflag:s25], $0x800  }
0x105: {  	[sflag:s25] =	ssyncset.done $0x0  }
0x106: {  	s7 =	sadd.s32 s10, s7;
	[sflag:s25] =	ssyncadd.s32 $0xFFFFF800  }
0x107: {  	[tilespmem:s29], [sflag:$0x3] =	stream.linear.gather [hbm4b:s7+s23], $0x800, $0x38;
	[tilespmem:$0x1F400] =	vst v63  }
0x108: {  	_ =	swait.ge [sflag:s25], $0x800  }
0x109: {  	[sflag:s25] =	ssyncset.done $0x0  }
0x10a: {  	[sflag:s25] =	ssyncadd.s32 $0xFFFFF800  }
0x10b: {  	[tilespmem:s31], [sflag:$0x1] =	stream.indirect.gather [hbm4b:s8+s30], $0x40, s23, s30, $0xb8;
	[tilespmem:$0x1F400] =	vst v63  }
0x10c: {  	_ = 	snop  }
0x10d: {  	[tilespmem:s0], [sflag:$0x2] =	stream.indirect.gather [hbm4b:s8+s30], $0x40, s30, s30, $0xb8;
	[tilespmem:$0x1F400] =	vst v63  }
0x10e: {  	_ =	swait.ge [sflag:s6], $0x1000  }
0x10f: {  	[sflag:s6] =	ssyncset.done $0x0  }
0x110: {  	s22 =	simm.s32 $0x800;
	[sflag:s6] =	ssyncadd.s32 $0xFFFFF000  }
0x111: {  	[spmem:s2] =	stream.indirect.scatter.add.bf16 [tilespmem:s31], [sflag:$0x3], $0x40, s22, s30, $0xb8;
	[tilespmem:$0x1F400] =	vst v63  }
0x112: {  	_ =	swait.ge [sflag:s25], $0x1000  }
0x113: {  	[sflag:s25] =	ssyncset.done $0x0  }
0x114: {  	[sflag:s25] =	ssyncadd.s32 $0xFFFFF000  }
0x115: {  	[spmem:s4] =	stream.indirect.scatter.add.f32 [tilespmem:s28], [sflag:$0x3], $0x10, s22, s30, $0xb8;
	[tilespmem:$0x1F400] =	vst v63  }
0x116: {  	_ =	swait.ge [sflag:s25], $0x400  }
0x117: {  	[sflag:s25] =	ssyncset.done $0x0  }
0x118: {  	s18 =	simm.s32 $0x80;
	[sflag:s25] =	ssyncadd.s32 $0xFFFFFC00  }
0x119: {  	[tilespmem:s31], [sflag:$0x1] =	stream.indirect.gather [hbm4b:s8+s30], $0x40, s18, s30, $0xb8;
	[tilespmem:$0x1F400] =	vst v63  }
0x11a: {  	_ =	swait.ge [sflag:s11], $0x1000  }
0x11b: {  	[sflag:s11] =	ssyncset.done $0x0  }
0x11c: {  	s22 =	simm.s32 $0x840;
	[sflag:s11] =	ssyncadd.s32 $0xFFFFF000  }
0x11d: {  	[spmem:s2] =	stream.indirect.scatter.add.bf16 [tilespmem:s0], [sflag:$0x3], $0x40, s22, s30, $0xb8;
	[tilespmem:$0x1F400] =	vst v63  }
0x11e: {  	_ =	swait.ge [sflag:s25], $0x1000  }
0x11f: {  	[sflag:s25] =	ssyncset.done $0x0  }
0x120: {  	[sflag:s25] =	ssyncadd.s32 $0xFFFFF000  }
0x121: {  	[spmem:s4] =	stream.indirect.scatter.add.f32 [tilespmem:s28], [sflag:$0x3], $0x10, s22, s30, $0xb8;
	[tilespmem:$0x1F400] =	vst v63  }
0x122: {  	_ =	swait.ge [sflag:s25], $0x400  }
0x123: {  	[sflag:s25] =	ssyncset.done $0x0  }
0x124: {  	s7 =	simm.s32 $0x200;
	s18 =	simm.s32 $0xC0;
	[sflag:s25] =	ssyncadd.s32 $0xFFFFFC00  }
.LBB2_8:
0x125: {  	[tilespmem:s0], [sflag:$0x2] =	stream.indirect.gather [hbm4b:s8+s30], $0x40, s18, s30, $0xb8;
	[tilespmem:$0x1F400] =	vst v63  }
0x126: {  	s18 =	smov.u32 s7  }
0x127: {  	p1 =	sne.s32 s7, $0x1C00;
	s7 =	sadd.s32 $0x200, s7;
	_ =	swait.ge [sflag:s6], $0x1000  }
0x128: {  	s18 =	sshra.s32 s18, $0x2;
	[sflag:s6] =	ssyncset.done $0x0  }
0x129: {  	s22 =	sadd.s32 $0x800, s18;
	[sflag:s6] =	ssyncadd.s32 $0xFFFFF000  }
0x12a: {  	[spmem:s2] =	stream.indirect.scatter.add.bf16 [tilespmem:s31], [sflag:$0x3], $0x40, s22, s30, $0xb8;
	[tilespmem:$0x1F400] =	vst v63  }
0x12b: {  	_ =	swait.ge [sflag:s25], $0x1000  }
0x12c: {  	[sflag:s25] =	ssyncset.done $0x0  }
0x12d: {  	[sflag:s25] =	ssyncadd.s32 $0xFFFFF000  }
0x12e: {  	[spmem:s4] =	stream.indirect.scatter.add.f32 [tilespmem:s28], [sflag:$0x3], $0x10, s22, s30, $0xb8;
	[tilespmem:$0x1F400] =	vst v63  }
0x12f: {  	_ =	swait.ge [sflag:s25], $0x400  }
0x130: {  	[sflag:s25] =	ssyncset.done $0x0  }
0x131: {  	s22 =	sadd.s32 $0x80, s18;
	[sflag:s25] =	ssyncadd.s32 $0xFFFFFC00  }
0x132: {  	[tilespmem:s31], [sflag:$0x1] =	stream.indirect.gather [hbm4b:s8+s30], $0x40, s22, s30, $0xb8;
	[tilespmem:$0x1F400] =	vst v63  }
0x133: {  	_ =	swait.ge [sflag:s11], $0x1000  }
0x134: {  	[sflag:s11] =	ssyncset.done $0x0  }
0x135: {  	s22 =	sadd.s32 $0x840, s18;
	[sflag:s11] =	ssyncadd.s32 $0xFFFFF000  }
0x136: {  	[spmem:s2] =	stream.indirect.scatter.add.bf16 [tilespmem:s0], [sflag:$0x3], $0x40, s22, s30, $0xb8;
	[tilespmem:$0x1F400] =	vst v63  }
0x137: {  	_ =	swait.ge [sflag:s25], $0x1000  }
0x138: {  	[sflag:s25] =	ssyncset.done $0x0  }
.Ltmp5:
0x139: {  	[sflag:s25] =	ssyncadd.s32 $0xFFFFF000;
	(pc) =	sbr.rel @p1 .LBB2_8-.Ltmp5, $4  }
0x13a: {  	[spmem:s4] =	stream.indirect.scatter.add.f32 [tilespmem:s28], [sflag:$0x3], $0x10, s22, s30, $0xb8;
	[tilespmem:$0x1F400] =	vst v63  }
0x13b: {  	_ =	swait.ge [sflag:s25], $0x400  }
0x13c: {  	[sflag:s25] =	ssyncset.done $0x0  }
0x13d: {  	s18 =	sadd.s32 $0xC0, s18;
	[sflag:s25] =	ssyncadd.s32 $0xFFFFFC00  }
0x13e: {  	[tilespmem:s0], [sflag:$0x2] =	stream.indirect.gather [hbm4b:s8+s30], $0x40, s18, s30, $0xb8;
	[tilespmem:$0x1F400] =	vst v63  }
0x13f: {  	_ =	swait.ge [sflag:s6], $0x1000  }
0x140: {  	[sflag:s6] =	ssyncset.done $0x0  }
0x141: {  	[sflag:s6] =	ssyncadd.s32 $0xFFFFF000  }
0x142: {  	[spmem:s2] =	stream.indirect.scatter.add.bf16 [tilespmem:s31], [sflag:$0x3], $0x40, s13, s30, $0xb8;
	[tilespmem:$0x1F400] =	vst v63  }
0x143: {  	_ =	swait.ge [sflag:s25], $0x1000  }
0x144: {  	[sflag:s25] =	ssyncset.done $0x0  }
0x145: {  	[sflag:s25] =	ssyncadd.s32 $0xFFFFF000  }
0x146: {  	[spmem:s4] =	stream.indirect.scatter.add.f32 [tilespmem:s28], [sflag:$0x3], $0x10, s13, s30, $0xb8;
	[tilespmem:$0x1F400] =	vst v63  }
0x147: {  	_ =	swait.ge [sflag:s25], $0x400  }
0x148: {  	[sflag:s25] =	ssyncset.done $0x0  }
0x149: {  	[sflag:s25] =	ssyncadd.s32 $0xFFFFFC00  }
0x14a: {  	_ =	swait.ge [sflag:s11], $0x1000  }
0x14b: {  	[sflag:s11] =	ssyncset.done $0x0  }
0x14c: {  	[sflag:s11] =	ssyncadd.s32 $0xFFFFF000  }
0x14d: {  	[spmem:s2] =	stream.indirect.scatter.add.bf16 [tilespmem:s0], [sflag:$0x3], $0x40, s14, s30, $0xb8;
	[tilespmem:$0x1F400] =	vst v63  }
0x14e: {  	s16 =	sadd.s32 $0x1, s16;
	_ =	swait.ge [sflag:s25], $0x1000  }
0x14f: {  	p1 =	sne.s32 s16, $0x5;
	[sflag:s25] =	ssyncset.done $0x0  }
.Ltmp6:
0x150: {  	[sflag:s25] =	ssyncadd.s32 $0xFFFFF000;
	(pc) =	sbr.rel @p1 .LBB2_7-.Ltmp6, $4  }
0x151: {  	[spmem:s4] =	stream.indirect.scatter.add.f32 [tilespmem:s28], [sflag:$0x3], $0x10, s14, s30, $0xb8;
	[tilespmem:$0x1F400] =	vst v63  }
0x152: {  	_ =	swait.ge [sflag:s25], $0x400  }
0x153: {  	[sflag:s25] =	ssyncset.done $0x0  }
0x154: {  	[sflag:s25] =	ssyncadd.s32 $0xFFFFFC00  }
.LBB2_10:
0x155: {  	[bflag:$0x0] =	sbarrier.arrive $0xFFFF;
	s7 =	simm.s32 $0x0  }
.LBB2_11:
0x156: {  	s16 =	sshll.u32 s7, $0x7  }
0x157: {  	s18 =	sadd.s32 s21, s16  }
0x158: {  	s16 =	sshll.u32 s18, $0x6  }
0x159: {  	s16 =	sand.u32 $0x3FFFFFC0, s16  }
0x15a: {  	s16 =	sadd.s32 s16, s2  }
0x15b: {  	[tilespmem:s15], [sflag:$0x3] =	stream.linear.gather [spmem:s16], $0x2000, $0x38;
	[tilespmem:$0x1F400] =	vst v63  }
0x15c: {  	s18 =	sshll.u32 s18, $0x4;
	_ =	swait.ge [sflag:s25], $0x2000  }
0x15d: {  	s18 =	sand.u32 $0x3FFFFFF0, s18;
	[sflag:s25] =	ssyncset.done $0x0  }
0x15e: {  	s18 =	sadd.s32 s18, s4;
	[sflag:s25] =	ssyncadd.s32 $0xFFFFE000  }
0x15f: {  	[tilespmem:s17], [sflag:$0x3] =	stream.linear.gather [spmem:s18], $0x800, $0x38;
	[tilespmem:$0x1F400] =	vst v63  }
0x160: {  	_ =	swait.ge [sflag:s25], $0x800  }
0x161: {  	[sflag:s25] =	ssyncset.done $0x0  }
0x162: {  	s23 =	simm.s32 $0x0;
	[sflag:s25] =	ssyncadd.s32 $0xFFFFF800  }
0x163: {  	v0 =	vld [tilespmem:s23+$0x5C00];
	_ =	sdelay $0x4  }
0x164: {  	(erf) = vrcp.f32 v0;
	_ =	sdelay $0x8  }
0x165: {  	vm0 =	veq.f32 v0, $0.0e+00;
	v61 =	vpop (erf)  }
0x166: {  	v0 =	vsel vm0, $0x0, v61  }
0x167: {  	(xrf0) =	vmax.scan.msk.f32 $0xffff, v0;
	_ =	sdelay $0x3  }
0x168: {  	s23 =	simm.s32 $0x3C20  }
0x169: {  	v62 =	vld [tilespmem:s23+$0xFFFFFFE0]  }
0x16a: {  	v1 =	vld [tilespmem:s23+$0xFFFFFFF0];
	v2, _, _ =	vpop (xrf0)  }
0x16b: {  	v3 =	vld [tilespmem:s23+$0x0];
	v2 =	vbroadcast v2, $0xF  }
0x16c: {  	v4 =	vld [tilespmem:s23+$0x10]  }
0x16d: {  	v2 =	vpack.i.f32.bf16 v2, v2  }
0x16e: {  	v0 =	vmul.bf16 v62, v2  }
0x16f: {  	v1 =	vmul.bf16 v1, v2  }
0x170: {  	v3 =	vmul.bf16 v3, v2;
	[tilespmem:s23+$0xFFFFFFE0] =	vst v0  }
0x171: {  	v63 =	vmul.bf16 v4, v2;
	[tilespmem:s23+$0xFFFFFFF0] =	vst v1  }
0x172: {  	[tilespmem:s23+$0x0] =	vst v3  }
0x173: {  	s22 =	simm.s32 $0x80;
	s18 =	simm.s32 $0x10;
	[tilespmem:s23+$0x10] =	vst v63  }
.LBB2_12:
0x174: {  	p1 =	sne.s32 s22, $0x1FC0;
	v0 =	vld [tilespmem:s18+$0x5C00];
	_ =	sdelay $0x4  }
0x175: {  	(erf) = vrcp.f32 v0;
	_ =	sdelay $0x8  }
0x176: {  	vm0 =	veq.f32 v0, $0.0e+00;
	v0 =	vpop (erf)  }
0x177: {  	v0 =	vsel vm0, $0x0, v0  }
0x178: {  	(xrf0) =	vmax.scan.msk.f32 $0xffff, v0;
	_ =	sdelay $0x1  }
0x179: {  	s23 =	sadd.s32 $0x40, s23  }
0x17a: {  	v0 =	vld [tilespmem:s23+$0xFFFFFFF0]  }
0x17b: {  	v1 =	vld [tilespmem:s23+$0x10]  }
0x17c: {  	v2 =	vld [tilespmem:s23+$0xFFFFFFE0]  }
0x17d: {  	v3 =	vld [tilespmem:s23+$0x0];
	v4, _, _ =	vpop (xrf0)  }
0x17e: {  	v4 =	vbroadcast v4, $0xF;
	_ =	sdelay $0x1  }
0x17f: {  	v4 =	vpack.i.f32.bf16 v4, v4  }
0x180: {  	v2 =	vmul.bf16 v2, v4;
	v0 =	vmul.bf16 v0, v4  }
.Ltmp7:
0x181: {  	v1 =	vmul.bf16 v1, v4;
	v3 =	vmul.bf16 v3, v4;
	(pc) =	sbr.rel @p1 .LBB2_12-.Ltmp7, $4  }
0x182: {  	[tilespmem:s23+$0xFFFFFFE0] =	vst v2  }
0x183: {  	[tilespmem:s23+$0xFFFFFFF0] =	vst v0  }
0x184: {  	[tilespmem:s23+$0x0] =	vst v3  }
0x185: {  	s18 =	sshra.s32 s22, $0x2;
	s22 =	sadd.s32 $0x40, s22;
	[tilespmem:s23+$0x10] =	vst v1  }
0x186: {  	v0 =	vld [tilespmem:s18+$0x5C00];
	_ =	sdelay $0x4  }
0x187: {  	(erf) = vrcp.f32 v0;
	_ =	sdelay $0x8  }
0x188: {  	vm0 =	veq.f32 v0, $0.0e+00;
	v61 =	vpop (erf)  }
0x189: {  	v0 =	vsel vm0, $0x0, v61  }
0x18a: {  	(xrf0) =	vmax.scan.msk.f32 $0xffff, v0;
	_ =	sdelay $0x3  }
0x18b: {  	s23 =	sadd.s32 $0x40, s23  }
0x18c: {  	v62 =	vld [tilespmem:s23+$0xFFFFFFE0]  }
0x18d: {  	v1 =	vld [tilespmem:s23+$0xFFFFFFF0];
	v2, _, _ =	vpop (xrf0)  }
0x18e: {  	v3 =	vld [tilespmem:s23+$0x0];
	v2 =	vbroadcast v2, $0xF  }
0x18f: {  	v4 =	vld [tilespmem:s23+$0x10]  }
0x190: {  	v2 =	vpack.i.f32.bf16 v2, v2  }
0x191: {  	v0 =	vmul.bf16 v62, v2  }
0x192: {  	v1 =	vmul.bf16 v1, v2  }
0x193: {  	v3 =	vmul.bf16 v3, v2;
	[tilespmem:s23+$0xFFFFFFE0] =	vst v0  }
0x194: {  	s7 =	sadd.s32 $0x1, s7;
	v63 =	vmul.bf16 v4, v2;
	[tilespmem:s23+$0xFFFFFFF0] =	vst v1  }
0x195: {  	p1 =	sne.s32 s7, $0x5;
	[tilespmem:s23+$0x0] =	vst v3  }
.Ltmp8:
0x196: {  	[tilespmem:s23+$0x10] =	vst v63;
	(pc) =	sbr.rel @p1 .LBB2_11-.Ltmp8, $4  }
0x197: {  	[spmem:s16] =	stream.linear.scatter [tilespmem:s15], [sflag:$0x3], $0x2000, $0x38;
	[tilespmem:$0x1F400] =	vst v63  }
0x198: {  	_ =	swait.ge [sflag:s25], $0x2000  }
0x199: {  	[sflag:s25] =	ssyncset.done $0x0  }
0x19a: {  	[sflag:s25] =	ssyncadd.s32 $0xFFFFE000  }
0x19b: {  	[bflag:$0x0] =	sbarrier.arrive $0xFFFF;
	s7 =	simm.s32 $0x0;
	s16 =	simm.s32 $0x0  }
.LBB2_15:
0x19c: {  	s18 =	sshll.u32 s16, $0xB  }
0x19d: {  	s18 =	sadd.s32 s12, s18  }
0x19e: {  	s18 =	sshrl.u32 s18, $0x3  }
0x19f: {  	s22 =	sadd.s32 s10, s18  }
0x1a0: {  	[tilespmem:s7], [sflag:$0x3] =	stream.linear.gather [hbm4b:s22+s7], $0x800, $0x38;
	[tilespmem:$0x1F400] =	vst v63  }
0x1a1: {  	_ =	swait.ge [sflag:s25], $0x800  }
0x1a2: {  	[sflag:s25] =	ssyncset.done $0x0  }
0x1a3: {  	s18 =	sadd.s32 s9, s18;
	[sflag:s25] =	ssyncadd.s32 $0xFFFFF800  }
0x1a4: {  	[tilespmem:s29], [sflag:$0x3] =	stream.linear.gather [hbm4b:s18+s7], $0x800, $0x38;
	[tilespmem:$0x1F400] =	vst v63  }
0x1a5: {  	_ =	swait.ge [sflag:s25], $0x800  }
0x1a6: {  	[sflag:s25] =	ssyncset.done $0x0  }
0x1a7: {  	[sflag:s25] =	ssyncadd.s32 $0xFFFFF800  }
0x1a8: {  	[tilespmem:s31], [sflag:$0x1] =	stream.indirect.gather [spmem:s2], $0x40, s7, s30, $0xb8;
	[tilespmem:$0x1F400] =	vst v63  }
0x1a9: {  	_ = 	snop  }
0x1aa: {  	[tilespmem:s0], [sflag:$0x2] =	stream.indirect.gather [spmem:s2], $0x40, s30, s30, $0xb8;
	[tilespmem:$0x1F400] =	vst v63  }
0x1ab: {  	_ =	swait.ge [sflag:s6], $0x1000  }
0x1ac: {  	[sflag:s6] =	ssyncset.done $0x0  }
0x1ad: {  	s23 =	simm.s32 $0x800;
	[sflag:s6] =	ssyncadd.s32 $0xFFFFF000  }
0x1ae: {  	[spmem:s3] =	stream.indirect.scatter.add.bf16 [tilespmem:s31], [sflag:$0x3], $0x40, s23, s30, $0xb8;
	[tilespmem:$0x1F400] =	vst v63  }
0x1af: {  	_ =	swait.ge [sflag:s25], $0x1000  }
0x1b0: {  	[sflag:s25] =	ssyncset.done $0x0  }
0x1b1: {  	[sflag:s25] =	ssyncadd.s32 $0xFFFFF000  }
0x1b2: {  	[spmem:s5] =	stream.indirect.scatter.add.f32 [tilespmem:s28], [sflag:$0x3], $0x10, s23, s30, $0xb8;
	[tilespmem:$0x1F400] =	vst v63  }
0x1b3: {  	_ =	swait.ge [sflag:s25], $0x400  }
0x1b4: {  	[sflag:s25] =	ssyncset.done $0x0  }
0x1b5: {  	s22 =	simm.s32 $0x80;
	[sflag:s25] =	ssyncadd.s32 $0xFFFFFC00  }
0x1b6: {  	[tilespmem:s31], [sflag:$0x1] =	stream.indirect.gather [spmem:s2], $0x40, s22, s30, $0xb8;
	[tilespmem:$0x1F400] =	vst v63  }
0x1b7: {  	_ =	swait.ge [sflag:s11], $0x1000  }
0x1b8: {  	[sflag:s11] =	ssyncset.done $0x0  }
0x1b9: {  	s23 =	simm.s32 $0x840;
	[sflag:s11] =	ssyncadd.s32 $0xFFFFF000  }
0x1ba: {  	[spmem:s3] =	stream.indirect.scatter.add.bf16 [tilespmem:s0], [sflag:$0x3], $0x40, s23, s30, $0xb8;
	[tilespmem:$0x1F400] =	vst v63  }
0x1bb: {  	_ =	swait.ge [sflag:s25], $0x1000  }
0x1bc: {  	[sflag:s25] =	ssyncset.done $0x0  }
0x1bd: {  	[sflag:s25] =	ssyncadd.s32 $0xFFFFF000  }
0x1be: {  	[spmem:s5] =	stream.indirect.scatter.add.f32 [tilespmem:s28], [sflag:$0x3], $0x10, s23, s30, $0xb8;
	[tilespmem:$0x1F400] =	vst v63  }
0x1bf: {  	_ =	swait.ge [sflag:s25], $0x400  }
0x1c0: {  	[sflag:s25] =	ssyncset.done $0x0  }
0x1c1: {  	s18 =	simm.s32 $0xC0;
	s22 =	simm.s32 $0x200;
	[sflag:s25] =	ssyncadd.s32 $0xFFFFFC00  }
.LBB2_16:
0x1c2: {  	[tilespmem:s0], [sflag:$0x2] =	stream.indirect.gather [spmem:s2], $0x40, s18, s30, $0xb8;
	[tilespmem:$0x1F400] =	vst v63  }
0x1c3: {  	s18 =	smov.u32 s22  }
0x1c4: {  	p1 =	sne.s32 s22, $0x1C00;
	s22 =	sadd.s32 $0x200, s22;
	_ =	swait.ge [sflag:s6], $0x1000  }
0x1c5: {  	s18 =	sshra.s32 s18, $0x2;
	[sflag:s6] =	ssyncset.done $0x0  }
0x1c6: {  	s23 =	sadd.s32 $0x800, s18;
	[sflag:s6] =	ssyncadd.s32 $0xFFFFF000  }
0x1c7: {  	[spmem:s3] =	stream.indirect.scatter.add.bf16 [tilespmem:s31], [sflag:$0x3], $0x40, s23, s30, $0xb8;
	[tilespmem:$0x1F400] =	vst v63  }
0x1c8: {  	_ =	swait.ge [sflag:s25], $0x1000  }
0x1c9: {  	[sflag:s25] =	ssyncset.done $0x0  }
0x1ca: {  	[sflag:s25] =	ssyncadd.s32 $0xFFFFF000  }
0x1cb: {  	[spmem:s5] =	stream.indirect.scatter.add.f32 [tilespmem:s28], [sflag:$0x3], $0x10, s23, s30, $0xb8;
	[tilespmem:$0x1F400] =	vst v63  }
0x1cc: {  	_ =	swait.ge [sflag:s25], $0x400  }
0x1cd: {  	[sflag:s25] =	ssyncset.done $0x0  }
0x1ce: {  	s23 =	sadd.s32 $0x80, s18;
	[sflag:s25] =	ssyncadd.s32 $0xFFFFFC00  }
0x1cf: {  	[tilespmem:s31], [sflag:$0x1] =	stream.indirect.gather [spmem:s2], $0x40, s23, s30, $0xb8;
	[tilespmem:$0x1F400] =	vst v63  }
0x1d0: {  	_ =	swait.ge [sflag:s11], $0x1000  }
0x1d1: {  	[sflag:s11] =	ssyncset.done $0x0  }
0x1d2: {  	s23 =	sadd.s32 $0x840, s18;
	[sflag:s11] =	ssyncadd.s32 $0xFFFFF000  }
0x1d3: {  	[spmem:s3] =	stream.indirect.scatter.add.bf16 [tilespmem:s0], [sflag:$0x3], $0x40, s23, s30, $0xb8;
	[tilespmem:$0x1F400] =	vst v63  }
0x1d4: {  	_ =	swait.ge [sflag:s25], $0x1000  }
0x1d5: {  	[sflag:s25] =	ssyncset.done $0x0  }
.Ltmp9:
0x1d6: {  	[sflag:s25] =	ssyncadd.s32 $0xFFFFF000;
	(pc) =	sbr.rel @p1 .LBB2_16-.Ltmp9, $4  }
0x1d7: {  	[spmem:s5] =	stream.indirect.scatter.add.f32 [tilespmem:s28], [sflag:$0x3], $0x10, s23, s30, $0xb8;
	[tilespmem:$0x1F400] =	vst v63  }
0x1d8: {  	_ =	swait.ge [sflag:s25], $0x400  }
0x1d9: {  	[sflag:s25] =	ssyncset.done $0x0  }
0x1da: {  	s18 =	sadd.s32 $0xC0, s18;
	[sflag:s25] =	ssyncadd.s32 $0xFFFFFC00  }
0x1db: {  	[tilespmem:s0], [sflag:$0x2] =	stream.indirect.gather [spmem:s2], $0x40, s18, s30, $0xb8;
	[tilespmem:$0x1F400] =	vst v63  }
0x1dc: {  	_ =	swait.ge [sflag:s6], $0x1000  }
0x1dd: {  	[sflag:s6] =	ssyncset.done $0x0  }
0x1de: {  	[sflag:s6] =	ssyncadd.s32 $0xFFFFF000  }
0x1df: {  	[spmem:s3] =	stream.indirect.scatter.add.bf16 [tilespmem:s31], [sflag:$0x3], $0x40, s13, s30, $0xb8;
	[tilespmem:$0x1F400] =	vst v63  }
0x1e0: {  	_ =	swait.ge [sflag:s25], $0x1000  }
0x1e1: {  	[sflag:s25] =	ssyncset.done $0x0  }
0x1e2: {  	[sflag:s25] =	ssyncadd.s32 $0xFFFFF000  }
0x1e3: {  	[spmem:s5] =	stream.indirect.scatter.add.f32 [tilespmem:s28], [sflag:$0x3], $0x10, s13, s30, $0xb8;
	[tilespmem:$0x1F400] =	vst v63  }
0x1e4: {  	_ =	swait.ge [sflag:s25], $0x400  }
0x1e5: {  	[sflag:s25] =	ssyncset.done $0x0  }
0x1e6: {  	[sflag:s25] =	ssyncadd.s32 $0xFFFFFC00  }
0x1e7: {  	_ =	swait.ge [sflag:s11], $0x1000  }
0x1e8: {  	[sflag:s11] =	ssyncset.done $0x0  }
0x1e9: {  	[sflag:s11] =	ssyncadd.s32 $0xFFFFF000  }
0x1ea: {  	[spmem:s3] =	stream.indirect.scatter.add.bf16 [tilespmem:s0], [sflag:$0x3], $0x40, s14, s30, $0xb8;
	[tilespmem:$0x1F400] =	vst v63  }
0x1eb: {  	s16 =	sadd.s32 $0x1, s16;
	_ =	swait.ge [sflag:s25], $0x1000  }
0x1ec: {  	p1 =	sne.s32 s16, $0x5;
	[sflag:s25] =	ssyncset.done $0x0  }
.Ltmp10:
0x1ed: {  	[sflag:s25] =	ssyncadd.s32 $0xFFFFF000;
	(pc) =	sbr.rel @p1 .LBB2_15-.Ltmp10, $4  }
0x1ee: {  	[spmem:s5] =	stream.indirect.scatter.add.f32 [tilespmem:s28], [sflag:$0x3], $0x10, s14, s30, $0xb8;
	[tilespmem:$0x1F400] =	vst v63  }
0x1ef: {  	_ =	swait.ge [sflag:s25], $0x400  }
0x1f0: {  	[sflag:s25] =	ssyncset.done $0x0  }
0x1f1: {  	[sflag:s25] =	ssyncadd.s32 $0xFFFFFC00  }
0x1f2: {  	s18 =	stileid.u32;
	[bflag:$0x0] =	sbarrier.arrive $0xFFFF  }
0x1f3: {  	s7 =	sshll.u32 @p0 s18, $0x6;
	s23 =	rddreg [dreg:$0xb]  }
0x1f4: {  	s22 =	rddreg [dreg:$0xa];
	s7 =	sor.u32 @p0 $0x1C03, s7;
	s16 =	sshrl.u32 @p0 s23, $0x3  }
0x1f5: {  	[hbm:s22], [sflag:s7] =	dma.local @p0 [spmem:s16], $0x1400  }
0x1f6: {  	s7 =	simm.s32 @p0 $0x3  }
0x1f7: {  	_ =	swait.ge @p0 [sflag:s7], $0x1400  }
0x1f8: {  	s16 =	sshll.u32 @!p0 s18, $0x6;
	[sflag:s7] =	ssyncset.done @p0 $0x0;
	s18 =	rddreg [dreg:$0xc]  }
0x1f9: {  	[sflag:s7] =	ssyncadd.s32 @p0 $0xFFFFEC00;
	s7 =	sor.u32 @!p0 $0x1C03, s16;
	s16 =	sshrl.u32 @!p0 s23, $0x3  }
0x1fa: {  	[hbm:s18], [sflag:s7] =	dma.local @!p0 [spmem:s16], $0x1400  }
0x1fb: {  	s16 =	simm.s32 @!p0 $0x3  }
0x1fc: {  	_ =	swait.ge @!p0 [sflag:s16], $0x1400  }
0x1fd: {  	s18 =	sld [smem:$0x7FC];
	_ =	sdelay $0x1  }
0x1fe: {  	[sflag:s16] =	ssyncset.done @!p0 $0x0  }
0x1ff: {  	s23 =	rddreg [dreg:$0xd];
	[sflag:s16] =	ssyncadd.s32 @!p0 $0xFFFFEC00;
	s18 =	sshrl.u32 @!p0 s18, $0x3  }
0x200: {  	[hbm:s23], [sflag:s7] =	dma.local @!p0 [spmem:s18], $0x500  }
0x201: {  	_ =	swait.ge @!p0 [sflag:s16], $0x500  }
0x202: {  	s7 =	sld [smem:$0x7FA];
	_ =	sdelay $0x2  }
0x203: {  	s23 =	rddreg [dreg:$0xe];
	s18 =	sadd.s32 $0x1, s7  }
0x204: {  	p1 =	sne.s32 s18, s23  }
.Ltmp11:
0x205: {  	_ = 	snop;
	(pc) =	sbr.rel @p1 .LBB2_1-.Ltmp11, $3  }
0x206: {  	_ =	sdelay $0x1  }
0x207: {  	[sflag:s16] =	ssyncset.done @!p0 $0x0  }
0x208: {  	s22 =	stileid.u32;
	[sflag:s16] =	ssyncadd.s32 @!p0 $0xFFFFFB00  }
0x209: {  	_ =	sfence.sel $0x180000  }
0x20a: {  	[bflag:$0x0] =	sbarrier.arrive $0xFFFF  }
0x20b: {  	_ =	strace $0x90000047  }
0x20c: {  	[bflag:$0x2] =	sbarrier.arrive $0xFFFF  }
0x20d: {  	p0 =	sne.s32 s22, $0x0;
	s0 =	rddreg [dreg:$0x6]  }
0x20e: {  	s0 =	sadd.s32 @!p0 $0x100000, s0  }
0x20f: {  	[sflag:s0] =	ssyncadd.tile.s32 @!p0 $0x1;
	_ =	shalt  }
.Lfunc_end2:
_tile_overlayer_lowered:
.L_overlay_start_2:
0x210: {  	(tag) =	ssettag $0x2  }
0x211: {  	s0 =	rddreg [dreg:$0x0];
	s2 =	stileid.u32  }
0x212: {  	s1 =	rddreg [dreg:$0x1];
	p0 =	sne.s32 s2, $0x0  }
0x213: {  	s3 =	rddreg [dreg:$0x2];
	[bflag:$0x3] =	sbarrier.arrive $0xFFFF;
	s2 =	simm.s32 @!p0 $0x1C03  }
0x214: {  	[timem:s3], [sflag:s2] =	dma.local @!p0 [hbm:s0], s1  }
0x215: {  	s0 =	simm.s32 @!p0 $0x3  }
0x216: {  	_ =	swait.ge @!p0 [sflag:s0], s1  }
0x217: {  	s1 =	ssub.s32 @!p0 $0x0, s1;
	[sflag:s0] =	ssyncset.done @!p0 $0x0  }
0x218: {  	[sflag:s0] =	ssyncadd.s32 @!p0 s1  }
0x219: {  	[bflag:$0x3] =	sbarrier.arrive $0xFFFF  }
0x21a: {  	_ =	shalt  }

</sc_bundles>
